<compile_context>
chip_gen: v7x
topology: tpu7x:2x2x1
jax: 0.10.2.dev20260603
libtpu: 0.0.44.dev20260713+nightly
codegen_flags: <defaults>
</compile_context>

<pallas_src>
import jax
import jax.numpy as jnp
from jax import lax
from jax.experimental import pallas as pl
from jax.experimental.pallas import tpu as pltpu
from jax.experimental.pallas import tpu_sc as plsc
import functools

NC, NS, L = 2, 16, 16
NW = NC * NS
B = 16384
F = 26
OFFS = 100000
BPW = B // NW
E = BPW * F
IDX_MINOR = 128
IDX_ROWS = E // IDX_MINOR
RPF = BPW // IDX_MINOR
CPW = BPW // L


@functools.partial(
    pl.kernel,
    out_type=jax.ShapeDtypeStruct((B,), jnp.float32),
    mesh=plsc.VectorSubcoreMesh(core_axis_name="c", subcore_axis_name="s"),
    scratch_types=[
        pltpu.VMEM((IDX_ROWS, IDX_MINOR), jnp.int32),
        pltpu.VMEM((IDX_ROWS, IDX_MINOR), jnp.float32),
        pltpu.VMEM((BPW,), jnp.float32),
        pltpu.VMEM((L,), jnp.float32),
        pltpu.SemaphoreType.DMA,
        pltpu.SemaphoreType.DMA,
        pltpu.SemaphoreType.DMA,
    ],
    compiler_params=pltpu.CompilerParams(
        skip_device_barrier=True,
        disable_bounds_checks=True,
        disable_semaphore_checks=True,
    ),
)
def _fl_kernel(xt_hbm, table_hbm, bias_hbm, out_hbm, idxb, gb, outb, biasb,
               xsem, gsem, osem):
    wid = lax.axis_index("s") * NC + lax.axis_index("c")
    base_b = wid * BPW

    bias_cp = pltpu.make_async_copy(bias_hbm, biasb, osem)
    bias_cp.start()

    @pl.loop(0, IDX_ROWS, unroll=4)
    def _xfire(t):
        r = (t % F) * RPF + t // F
        pltpu.make_async_copy(
            xt_hbm.at[r // RPF, pl.ds(base_b + (r % RPF) * IDX_MINOR, IDX_MINOR)],
            idxb.at[r], xsem).start()

    tbl = table_hbm.at[0]

    @pl.loop(0, IDX_ROWS, unroll=2)
    def _off_fire(t):
        k = t // F
        f = t % F
        r = f * RPF + k
        pltpu.make_async_copy(
            xt_hbm.at[f, pl.ds(base_b + k * IDX_MINOR, IDX_MINOR)],
            idxb.at[r], xsem).wait()
        off = f * OFFS
        for j in range(IDX_MINOR // L):
            idxb[r, pl.ds(j * L, L)] = idxb[r, pl.ds(j * L, L)] + off
        pltpu.make_async_copy(tbl.at[idxb.at[r]], gb.at[r], gsem).start()

    bias_cp.wait()

    @pl.loop(0, RPF)
    def _seg(k):
        @pl.loop(0, F, unroll=2)
        def _dr(f):
            pltpu.make_async_copy(tbl.at[idxb.at[0]], gb.at[0], gsem).wait()

        @pl.loop(0, IDX_MINOR // L)
        def _reduce(j):
            acc = biasb[...]
            for f in range(F):
                acc = acc + gb[f * RPF + k, pl.ds(j * L, L)]
            outb[pl.ds(k * IDX_MINOR + j * L, L)] = acc

        pltpu.make_async_copy(
            outb.at[pl.ds(k * IDX_MINOR, IDX_MINOR)],
            out_hbm.at[pl.ds(base_b + k * IDX_MINOR, IDX_MINOR)], osem).start()

    @pl.loop(0, RPF)
    def _odrain(k):
        pltpu.make_async_copy(
            outb.at[pl.ds(k * IDX_MINOR, IDX_MINOR)],
            out_hbm.at[pl.ds(base_b + k * IDX_MINOR, IDX_MINOR)], osem).wait()


def kernel(x, table, bias):
    b16 = jnp.full((L,), bias[0], dtype=jnp.float32)
    out = _fl_kernel(x.T, table.T, b16)
    return out.reshape(B, 1)

# --- scband reference (transcript-rebuilt; emitter-appended) ---
"""Pipeline reference for scband-features-linear-18133351924095 (READ-ONLY COPY).

The authoritative reference and input builder live on the scoring server;
editing this copy changes nothing except your own understanding.
"""

import jax, jax.numpy as jnp
import numpy as np

FIELD_DIMS = [100000] * 26
OUTPUT_DIM = 1
BATCH = 16384

def setup_inputs(seed: int = 0) -> dict:
    key = jax.random.key(seed)
    k1, k2 = jax.random.split(key)
    x = jax.random.randint(k1, (BATCH, len(FIELD_DIMS)), 0, 100000, dtype=jnp.int64 if jax.config.jax_enable_x64 else jnp.int32)
    x = x.astype(jnp.int32)
    table = jax.random.normal(k2, (sum(FIELD_DIMS), OUTPUT_DIM), dtype=jnp.float32)
    bias = jnp.zeros((OUTPUT_DIM,), dtype=jnp.float32)
    return {"x": x, "table": table, "bias": bias}

def reference(x, table, bias):
    offsets = jnp.asarray(np.array((0, *np.cumsum(FIELD_DIMS)[:-1]), dtype=np.int64), dtype=x.dtype)
    idx = x + offsets[None, :]
    emb = jnp.take(table, idx, axis=0)  # (B, F, output_dim)
    return jnp.sum(emb, axis=1) + bias

if __name__ == "__main__":
    import jax
    _d = setup_inputs()
    print(jax.jit(kernel)(*tuple(_d.values())))

</pallas_src>

<mosaic_0001>
#map = affine_map<(d0, d1) -> (0, 0)>
#map1 = affine_map<(d0, d1) -> (0)>
module attributes {stable_mosaic.version = 14 : i64} {
  func.func @_fl_kernel(%arg0: i32, %arg1: i32, %arg2: memref<26x16384xi32, #tpu.memory_space<hbm>>, %arg3: memref<1x2600000xf32, #tpu.memory_space<hbm>>, %arg4: memref<16xf32, #tpu.memory_space<hbm>>, %arg5: memref<16384xf32, #tpu.memory_space<hbm>>, %arg6: memref<104x128xi32, #tpu.memory_space<vmem>>, %arg7: memref<104x128xf32, #tpu.memory_space<vmem>>, %arg8: memref<512xf32, #tpu.memory_space<vmem>>, %arg9: memref<16xf32, #tpu.memory_space<vmem>>, %arg10: memref<!tpu.dma_semaphore, #tpu.memory_space<semaphore_mem>>, %arg11: memref<!tpu.dma_semaphore, #tpu.memory_space<semaphore_mem>>, %arg12: memref<!tpu.dma_semaphore, #tpu.memory_space<semaphore_mem>>) attributes {dimension_semantics = [#tpu.dimension_semantics<core_parallel>, #tpu.dimension_semantics<subcore_parallel>], iteration_bounds = array<i64: 2, 16>, scalar_prefetch = 0 : i64, scratch_operands = 7 : i64, tpu.core_type = #tpu.core_type<sc_vector_subcore>, window_params = [{transform_indices = #map}, {transform_indices = #map}, {transform_indices = #map1}, {transform_indices = #map1}]} {
    %mul3A = arith.constant 2 : i32
    %mul3A_0 = arith.muli %arg1, %mul3A : i32
    %add3A = arith.addi %mul3A_0, %arg0 : i32
    %mul3A_1 = arith.constant 512 : i32
    %mul3A_2 = arith.muli %add3A, %mul3A_1 : i32
    tpu.enqueue_dma source(%arg4 : memref<16xf32, #tpu.memory_space<hbm>>) target(%arg9 : memref<16xf32, #tpu.memory_space<vmem>>) target_semaphore(%arg12 : memref<!tpu.dma_semaphore, #tpu.memory_space<semaphore_mem>>)
    %scan3A = arith.constant 0 : i32
    %scan3A_3 = arith.constant 104 : i32
    %scan3A_4 = arith.addi %scan3A, %scan3A_3 : i32
    %scan3A_5 = arith.constant 4 : i32
    scf.for %scan3A_24 = %scan3A to %scan3A_4 step %scan3A_5  : i32 {
      %mul3A_25 = arith.constant 1 : i32
      %mul3A_26 = arith.muli %scan3A_24, %mul3A_25 : i32
      %add3A_27 = arith.constant 0 : i32
      %add3A_28 = arith.addi %add3A_27, %mul3A_26 : i32
      %jit3A = arith.constant 26 : i32
      %eq3A = arith.constant 0 : i32
      %eq3A_29 = arith.cmpi eq, %jit3A, %eq3A : i32
      %jit3A_30 = arith.constant 1 : i32
      %select_n3A = arith.select %eq3A_29, %jit3A_30, %jit3A : i32
      %rem3A = arith.remsi %add3A_28, %select_n3A : i32
      %ne3A = arith.constant 0 : i32
      %ne3A_31 = arith.cmpi ne, %rem3A, %ne3A : i32
      %lt3A = arith.constant 0 : i32
      %lt3A_32 = arith.cmpi slt, %rem3A, %lt3A : i32
      %lt3A_33 = arith.constant 0 : i32
      %lt3A_34 = arith.cmpi slt, %select_n3A, %lt3A_33 : i32
      %ne3A_35 = arith.xori %lt3A_32, %lt3A_34 : i1
      %and3A = arith.andi %ne3A_35, %ne3A_31 : i1
      %add3A_36 = arith.addi %rem3A, %select_n3A : i32
      %select_n3A_37 = arith.select %and3A, %add3A_36, %rem3A : i32
      %mul3A_38 = arith.constant 4 : i32
      %mul3A_39 = arith.muli %select_n3A_37, %mul3A_38 : i32
      %jit3A_40 = arith.constant 26 : i32
      %div3A = arith.divsi %add3A_28, %jit3A_40 : i32
      %sign3A = arith.constant 0 : i32
      %sign3A_41 = arith.cmpi sgt, %add3A_28, %sign3A : i32
      %sign3A_42 = arith.extui %sign3A_41 : i1 to i32
      %sign3A_43 = arith.constant 0 : i32
      %sign3A_44 = arith.cmpi slt, %add3A_28, %sign3A_43 : i32
      %sign3A_45 = arith.extui %sign3A_44 : i1 to i32
      %sign3A_46 = arith.subi %sign3A_42, %sign3A_45 : i32
      %sign3A_47 = arith.constant 0 : i32
      %sign3A_48 = arith.cmpi sgt, %jit3A_40, %sign3A_47 : i32
      %sign3A_49 = arith.extui %sign3A_48 : i1 to i32
      %sign3A_50 = arith.constant 0 : i32
      %sign3A_51 = arith.cmpi slt, %jit3A_40, %sign3A_50 : i32
      %sign3A_52 = arith.extui %sign3A_51 : i1 to i32
      %sign3A_53 = arith.subi %sign3A_49, %sign3A_52 : i32
      %ne3A_54 = arith.cmpi ne, %sign3A_46, %sign3A_53 : i32
      %rem3A_55 = arith.remsi %add3A_28, %jit3A_40 : i32
      %ne3A_56 = arith.constant 0 : i32
      %ne3A_57 = arith.cmpi ne, %rem3A_55, %ne3A_56 : i32
      %and3A_58 = arith.andi %ne3A_54, %ne3A_57 : i1
      %sub3A = arith.constant 1 : i32
      %sub3A_59 = arith.subi %div3A, %sub3A : i32
      %select_n3A_60 = arith.select %and3A_58, %sub3A_59, %div3A : i32
      %add3A_61 = arith.addi %mul3A_39, %select_n3A_60 : i32
      %jit3A_62 = arith.constant 4 : i32
      %div3A_63 = arith.divsi %add3A_61, %jit3A_62 : i32
      %sign3A_64 = arith.constant 0 : i32
      %sign3A_65 = arith.cmpi sgt, %add3A_61, %sign3A_64 : i32
      %sign3A_66 = arith.extui %sign3A_65 : i1 to i32
      %sign3A_67 = arith.constant 0 : i32
      %sign3A_68 = arith.cmpi slt, %add3A_61, %sign3A_67 : i32
      %sign3A_69 = arith.extui %sign3A_68 : i1 to i32
      %sign3A_70 = arith.subi %sign3A_66, %sign3A_69 : i32
      %sign3A_71 = arith.constant 0 : i32
      %sign3A_72 = arith.cmpi sgt, %jit3A_62, %sign3A_71 : i32
      %sign3A_73 = arith.extui %sign3A_72 : i1 to i32
      %sign3A_74 = arith.constant 0 : i32
      %sign3A_75 = arith.cmpi slt, %jit3A_62, %sign3A_74 : i32
      %sign3A_76 = arith.extui %sign3A_75 : i1 to i32
      %sign3A_77 = arith.subi %sign3A_73, %sign3A_76 : i32
      %ne3A_78 = arith.cmpi ne, %sign3A_70, %sign3A_77 : i32
      %rem3A_79 = arith.remsi %add3A_61, %jit3A_62 : i32
      %ne3A_80 = arith.constant 0 : i32
      %ne3A_81 = arith.cmpi ne, %rem3A_79, %ne3A_80 : i32
      %and3A_82 = arith.andi %ne3A_78, %ne3A_81 : i1
      %sub3A_83 = arith.constant 1 : i32
      %sub3A_84 = arith.subi %div3A_63, %sub3A_83 : i32
      %select_n3A_85 = arith.select %and3A_82, %sub3A_84, %div3A_63 : i32
      %jit3A_86 = arith.constant 4 : i32
      %eq3A_87 = arith.constant 0 : i32
      %eq3A_88 = arith.cmpi eq, %jit3A_86, %eq3A_87 : i32
      %jit3A_89 = arith.constant 1 : i32
      %select_n3A_90 = arith.select %eq3A_88, %jit3A_89, %jit3A_86 : i32
      %rem3A_91 = arith.remsi %add3A_61, %select_n3A_90 : i32
      %ne3A_92 = arith.constant 0 : i32
      %ne3A_93 = arith.cmpi ne, %rem3A_91, %ne3A_92 : i32
      %lt3A_94 = arith.constant 0 : i32
      %lt3A_95 = arith.cmpi slt, %rem3A_91, %lt3A_94 : i32
      %lt3A_96 = arith.constant 0 : i32
      %lt3A_97 = arith.cmpi slt, %select_n3A_90, %lt3A_96 : i32
      %ne3A_98 = arith.xori %lt3A_95, %lt3A_97 : i1
      %and3A_99 = arith.andi %ne3A_98, %ne3A_93 : i1
      %add3A_100 = arith.addi %rem3A_91, %select_n3A_90 : i32
      %select_n3A_101 = arith.select %and3A_99, %add3A_100, %rem3A_91 : i32
      %mul3A_102 = arith.constant 128 : i32
      %mul3A_103 = arith.muli %select_n3A_101, %mul3A_102 : i32
      %add3A_104 = arith.addi %mul3A_2, %mul3A_103 : i32
      %dma_start3A = arith.constant 0 : i32
      %dma_start3A_105 = tpu.memref_slice %arg6[%add3A_61, %dma_start3A] : memref<104x128xi32, #tpu.memory_space<vmem>> -> memref<1x128xi32, #tpu.memory_space<vmem>>
      %dma_start3A_106 = tpu.memref_squeeze %dma_start3A_105 : memref<1x128xi32, #tpu.memory_space<vmem>> -> memref<128xi32, #tpu.memory_space<vmem>>
      %dma_start3A_107 = tpu.memref_slice %arg2[%select_n3A_85, %add3A_104] : memref<26x16384xi32, #tpu.memory_space<hbm>> -> memref<1x128xi32, #tpu.memory_space<hbm>>
      %dma_start3A_108 = tpu.memref_squeeze %dma_start3A_107 : memref<1x128xi32, #tpu.memory_space<hbm>> -> memref<128xi32, #tpu.memory_space<hbm>>
      %dma_start3A_109 = arith.constant 0 : i32
      %dma_start3A_110 = tpu.memref_slice %arg6[%add3A_61, %dma_start3A_109] : memref<104x128xi32, #tpu.memory_space<vmem>> -> memref<1x128xi32, #tpu.memory_space<vmem>>
      %dma_start3A_111 = tpu.memref_squeeze %dma_start3A_110 : memref<1x128xi32, #tpu.memory_space<vmem>> -> memref<128xi32, #tpu.memory_space<vmem>>
      %dma_start3A_112 = tpu.memref_slice %arg2[%select_n3A_85, %add3A_104] : memref<26x16384xi32, #tpu.memory_space<hbm>> -> memref<1x128xi32, #tpu.memory_space<hbm>>
      %dma_start3A_113 = tpu.memref_squeeze %dma_start3A_112 : memref<1x128xi32, #tpu.memory_space<hbm>> -> memref<128xi32, #tpu.memory_space<hbm>>
      tpu.enqueue_dma source(%dma_start3A_113 : memref<128xi32, #tpu.memory_space<hbm>>) target(%dma_start3A_111 : memref<128xi32, #tpu.memory_space<vmem>>) target_semaphore(%arg10 : memref<!tpu.dma_semaphore, #tpu.memory_space<semaphore_mem>>)
      %scan3A_114 = arith.constant 1 : i32
      %scan3A_115 = arith.addi %scan3A_24, %scan3A_114 : i32
      %mul3A_116 = arith.constant 1 : i32
      %mul3A_117 = arith.muli %scan3A_115, %mul3A_116 : i32
      %add3A_118 = arith.constant 0 : i32
      %add3A_119 = arith.addi %add3A_118, %mul3A_117 : i32
      %jit3A_120 = arith.constant 26 : i32
      %eq3A_121 = arith.constant 0 : i32
      %eq3A_122 = arith.cmpi eq, %jit3A_120, %eq3A_121 : i32
      %jit3A_123 = arith.constant 1 : i32
      %select_n3A_124 = arith.select %eq3A_122, %jit3A_123, %jit3A_120 : i32
      %rem3A_125 = arith.remsi %add3A_119, %select_n3A_124 : i32
      %ne3A_126 = arith.constant 0 : i32
      %ne3A_127 = arith.cmpi ne, %rem3A_125, %ne3A_126 : i32
      %lt3A_128 = arith.constant 0 : i32
      %lt3A_129 = arith.cmpi slt, %rem3A_125, %lt3A_128 : i32
      %lt3A_130 = arith.constant 0 : i32
      %lt3A_131 = arith.cmpi slt, %select_n3A_124, %lt3A_130 : i32
      %ne3A_132 = arith.xori %lt3A_129, %lt3A_131 : i1
      %and3A_133 = arith.andi %ne3A_132, %ne3A_127 : i1
      %add3A_134 = arith.addi %rem3A_125, %select_n3A_124 : i32
      %select_n3A_135 = arith.select %and3A_133, %add3A_134, %rem3A_125 : i32
      %mul3A_136 = arith.constant 4 : i32
      %mul3A_137 = arith.muli %select_n3A_135, %mul3A_136 : i32
      %jit3A_138 = arith.constant 26 : i32
      %div3A_139 = arith.divsi %add3A_119, %jit3A_138 : i32
      %sign3A_140 = arith.constant 0 : i32
      %sign3A_141 = arith.cmpi sgt, %add3A_119, %sign3A_140 : i32
      %sign3A_142 = arith.extui %sign3A_141 : i1 to i32
      %sign3A_143 = arith.constant 0 : i32
      %sign3A_144 = arith.cmpi slt, %add3A_119, %sign3A_143 : i32
      %sign3A_145 = arith.extui %sign3A_144 : i1 to i32
      %sign3A_146 = arith.subi %sign3A_142, %sign3A_145 : i32
      %sign3A_147 = arith.constant 0 : i32
      %sign3A_148 = arith.cmpi sgt, %jit3A_138, %sign3A_147 : i32
      %sign3A_149 = arith.extui %sign3A_148 : i1 to i32
      %sign3A_150 = arith.constant 0 : i32
      %sign3A_151 = arith.cmpi slt, %jit3A_138, %sign3A_150 : i32
      %sign3A_152 = arith.extui %sign3A_151 : i1 to i32
      %sign3A_153 = arith.subi %sign3A_149, %sign3A_152 : i32
      %ne3A_154 = arith.cmpi ne, %sign3A_146, %sign3A_153 : i32
      %rem3A_155 = arith.remsi %add3A_119, %jit3A_138 : i32
      %ne3A_156 = arith.constant 0 : i32
      %ne3A_157 = arith.cmpi ne, %rem3A_155, %ne3A_156 : i32
      %and3A_158 = arith.andi %ne3A_154, %ne3A_157 : i1
      %sub3A_159 = arith.constant 1 : i32
      %sub3A_160 = arith.subi %div3A_139, %sub3A_159 : i32
      %select_n3A_161 = arith.select %and3A_158, %sub3A_160, %div3A_139 : i32
      %add3A_162 = arith.addi %mul3A_137, %select_n3A_161 : i32
      %jit3A_163 = arith.constant 4 : i32
      %div3A_164 = arith.divsi %add3A_162, %jit3A_163 : i32
      %sign3A_165 = arith.constant 0 : i32
      %sign3A_166 = arith.cmpi sgt, %add3A_162, %sign3A_165 : i32
      %sign3A_167 = arith.extui %sign3A_166 : i1 to i32
      %sign3A_168 = arith.constant 0 : i32
      %sign3A_169 = arith.cmpi slt, %add3A_162, %sign3A_168 : i32
      %sign3A_170 = arith.extui %sign3A_169 : i1 to i32
      %sign3A_171 = arith.subi %sign3A_167, %sign3A_170 : i32
      %sign3A_172 = arith.constant 0 : i32
      %sign3A_173 = arith.cmpi sgt, %jit3A_163, %sign3A_172 : i32
      %sign3A_174 = arith.extui %sign3A_173 : i1 to i32
      %sign3A_175 = arith.constant 0 : i32
      %sign3A_176 = arith.cmpi slt, %jit3A_163, %sign3A_175 : i32
      %sign3A_177 = arith.extui %sign3A_176 : i1 to i32
      %sign3A_178 = arith.subi %sign3A_174, %sign3A_177 : i32
      %ne3A_179 = arith.cmpi ne, %sign3A_171, %sign3A_178 : i32
      %rem3A_180 = arith.remsi %add3A_162, %jit3A_163 : i32
      %ne3A_181 = arith.constant 0 : i32
      %ne3A_182 = arith.cmpi ne, %rem3A_180, %ne3A_181 : i32
      %and3A_183 = arith.andi %ne3A_179, %ne3A_182 : i1
      %sub3A_184 = arith.constant 1 : i32
      %sub3A_185 = arith.subi %div3A_164, %sub3A_184 : i32
      %select_n3A_186 = arith.select %and3A_183, %sub3A_185, %div3A_164 : i32
      %jit3A_187 = arith.constant 4 : i32
      %eq3A_188 = arith.constant 0 : i32
      %eq3A_189 = arith.cmpi eq, %jit3A_187, %eq3A_188 : i32
      %jit3A_190 = arith.constant 1 : i32
      %select_n3A_191 = arith.select %eq3A_189, %jit3A_190, %jit3A_187 : i32
      %rem3A_192 = arith.remsi %add3A_162, %select_n3A_191 : i32
      %ne3A_193 = arith.constant 0 : i32
      %ne3A_194 = arith.cmpi ne, %rem3A_192, %ne3A_193 : i32
      %lt3A_195 = arith.constant 0 : i32
      %lt3A_196 = arith.cmpi slt, %rem3A_192, %lt3A_195 : i32
      %lt3A_197 = arith.constant 0 : i32
      %lt3A_198 = arith.cmpi slt, %select_n3A_191, %lt3A_197 : i32
      %ne3A_199 = arith.xori %lt3A_196, %lt3A_198 : i1
      %and3A_200 = arith.andi %ne3A_199, %ne3A_194 : i1
      %add3A_201 = arith.addi %rem3A_192, %select_n3A_191 : i32
      %select_n3A_202 = arith.select %and3A_200, %add3A_201, %rem3A_192 : i32
      %mul3A_203 = arith.constant 128 : i32
      %mul3A_204 = arith.muli %select_n3A_202, %mul3A_203 : i32
      %add3A_205 = arith.addi %mul3A_2, %mul3A_204 : i32
      %dma_start3A_206 = arith.constant 0 : i32
      %dma_start3A_207 = tpu.memref_slice %arg6[%add3A_162, %dma_start3A_206] : memref<104x128xi32, #tpu.memory_space<vmem>> -> memref<1x128xi32, #tpu.memory_space<vmem>>
      %dma_start3A_208 = tpu.memref_squeeze %dma_start3A_207 : memref<1x128xi32, #tpu.memory_space<vmem>> -> memref<128xi32, #tpu.memory_space<vmem>>
      %dma_start3A_209 = tpu.memref_slice %arg2[%select_n3A_186, %add3A_205] : memref<26x16384xi32, #tpu.memory_space<hbm>> -> memref<1x128xi32, #tpu.memory_space<hbm>>
      %dma_start3A_210 = tpu.memref_squeeze %dma_start3A_209 : memref<1x128xi32, #tpu.memory_space<hbm>> -> memref<128xi32, #tpu.memory_space<hbm>>
      %dma_start3A_211 = arith.constant 0 : i32
      %dma_start3A_212 = tpu.memref_slice %arg6[%add3A_162, %dma_start3A_211] : memref<104x128xi32, #tpu.memory_space<vmem>> -> memref<1x128xi32, #tpu.memory_space<vmem>>
      %dma_start3A_213 = tpu.memref_squeeze %dma_start3A_212 : memref<1x128xi32, #tpu.memory_space<vmem>> -> memref<128xi32, #tpu.memory_space<vmem>>
      %dma_start3A_214 = tpu.memref_slice %arg2[%select_n3A_186, %add3A_205] : memref<26x16384xi32, #tpu.memory_space<hbm>> -> memref<1x128xi32, #tpu.memory_space<hbm>>
      %dma_start3A_215 = tpu.memref_squeeze %dma_start3A_214 : memref<1x128xi32, #tpu.memory_space<hbm>> -> memref<128xi32, #tpu.memory_space<hbm>>
      tpu.enqueue_dma source(%dma_start3A_215 : memref<128xi32, #tpu.memory_space<hbm>>) target(%dma_start3A_213 : memref<128xi32, #tpu.memory_space<vmem>>) target_semaphore(%arg10 : memref<!tpu.dma_semaphore, #tpu.memory_space<semaphore_mem>>)
      %scan3A_216 = arith.constant 2 : i32
      %scan3A_217 = arith.addi %scan3A_24, %scan3A_216 : i32
      %mul3A_218 = arith.constant 1 : i32
      %mul3A_219 = arith.muli %scan3A_217, %mul3A_218 : i32
      %add3A_220 = arith.constant 0 : i32
      %add3A_221 = arith.addi %add3A_220, %mul3A_219 : i32
      %jit3A_222 = arith.constant 26 : i32
      %eq3A_223 = arith.constant 0 : i32
      %eq3A_224 = arith.cmpi eq, %jit3A_222, %eq3A_223 : i32
      %jit3A_225 = arith.constant 1 : i32
      %select_n3A_226 = arith.select %eq3A_224, %jit3A_225, %jit3A_222 : i32
      %rem3A_227 = arith.remsi %add3A_221, %select_n3A_226 : i32
      %ne3A_228 = arith.constant 0 : i32
      %ne3A_229 = arith.cmpi ne, %rem3A_227, %ne3A_228 : i32
      %lt3A_230 = arith.constant 0 : i32
      %lt3A_231 = arith.cmpi slt, %rem3A_227, %lt3A_230 : i32
      %lt3A_232 = arith.constant 0 : i32
      %lt3A_233 = arith.cmpi slt, %select_n3A_226, %lt3A_232 : i32
      %ne3A_234 = arith.xori %lt3A_231, %lt3A_233 : i1
      %and3A_235 = arith.andi %ne3A_234, %ne3A_229 : i1
      %add3A_236 = arith.addi %rem3A_227, %select_n3A_226 : i32
      %select_n3A_237 = arith.select %and3A_235, %add3A_236, %rem3A_227 : i32
      %mul3A_238 = arith.constant 4 : i32
      %mul3A_239 = arith.muli %select_n3A_237, %mul3A_238 : i32
      %jit3A_240 = arith.constant 26 : i32
      %div3A_241 = arith.divsi %add3A_221, %jit3A_240 : i32
      %sign3A_242 = arith.constant 0 : i32
      %sign3A_243 = arith.cmpi sgt, %add3A_221, %sign3A_242 : i32
      %sign3A_244 = arith.extui %sign3A_243 : i1 to i32
      %sign3A_245 = arith.constant 0 : i32
      %sign3A_246 = arith.cmpi slt, %add3A_221, %sign3A_245 : i32
      %sign3A_247 = arith.extui %sign3A_246 : i1 to i32
      %sign3A_248 = arith.subi %sign3A_244, %sign3A_247 : i32
      %sign3A_249 = arith.constant 0 : i32
      %sign3A_250 = arith.cmpi sgt, %jit3A_240, %sign3A_249 : i32
      %sign3A_251 = arith.extui %sign3A_250 : i1 to i32
      %sign3A_252 = arith.constant 0 : i32
      %sign3A_253 = arith.cmpi slt, %jit3A_240, %sign3A_252 : i32
      %sign3A_254 = arith.extui %sign3A_253 : i1 to i32
      %sign3A_255 = arith.subi %sign3A_251, %sign3A_254 : i32
      %ne3A_256 = arith.cmpi ne, %sign3A_248, %sign3A_255 : i32
      %rem3A_257 = arith.remsi %add3A_221, %jit3A_240 : i32
      %ne3A_258 = arith.constant 0 : i32
      %ne3A_259 = arith.cmpi ne, %rem3A_257, %ne3A_258 : i32
      %and3A_260 = arith.andi %ne3A_256, %ne3A_259 : i1
      %sub3A_261 = arith.constant 1 : i32
      %sub3A_262 = arith.subi %div3A_241, %sub3A_261 : i32
      %select_n3A_263 = arith.select %and3A_260, %sub3A_262, %div3A_241 : i32
      %add3A_264 = arith.addi %mul3A_239, %select_n3A_263 : i32
      %jit3A_265 = arith.constant 4 : i32
      %div3A_266 = arith.divsi %add3A_264, %jit3A_265 : i32
      %sign3A_267 = arith.constant 0 : i32
      %sign3A_268 = arith.cmpi sgt, %add3A_264, %sign3A_267 : i32
      %sign3A_269 = arith.extui %sign3A_268 : i1 to i32
      %sign3A_270 = arith.constant 0 : i32
      %sign3A_271 = arith.cmpi slt, %add3A_264, %sign3A_270 : i32
      %sign3A_272 = arith.extui %sign3A_271 : i1 to i32
      %sign3A_273 = arith.subi %sign3A_269, %sign3A_272 : i32
      %sign3A_274 = arith.constant 0 : i32
      %sign3A_275 = arith.cmpi sgt, %jit3A_265, %sign3A_274 : i32
      %sign3A_276 = arith.extui %sign3A_275 : i1 to i32
      %sign3A_277 = arith.constant 0 : i32
      %sign3A_278 = arith.cmpi slt, %jit3A_265, %sign3A_277 : i32
      %sign3A_279 = arith.extui %sign3A_278 : i1 to i32
      %sign3A_280 = arith.subi %sign3A_276, %sign3A_279 : i32
      %ne3A_281 = arith.cmpi ne, %sign3A_273, %sign3A_280 : i32
      %rem3A_282 = arith.remsi %add3A_264, %jit3A_265 : i32
      %ne3A_283 = arith.constant 0 : i32
      %ne3A_284 = arith.cmpi ne, %rem3A_282, %ne3A_283 : i32
      %and3A_285 = arith.andi %ne3A_281, %ne3A_284 : i1
      %sub3A_286 = arith.constant 1 : i32
      %sub3A_287 = arith.subi %div3A_266, %sub3A_286 : i32
      %select_n3A_288 = arith.select %and3A_285, %sub3A_287, %div3A_266 : i32
      %jit3A_289 = arith.constant 4 : i32
      %eq3A_290 = arith.constant 0 : i32
      %eq3A_291 = arith.cmpi eq, %jit3A_289, %eq3A_290 : i32
      %jit3A_292 = arith.constant 1 : i32
      %select_n3A_293 = arith.select %eq3A_291, %jit3A_292, %jit3A_289 : i32
      %rem3A_294 = arith.remsi %add3A_264, %select_n3A_293 : i32
      %ne3A_295 = arith.constant 0 : i32
      %ne3A_296 = arith.cmpi ne, %rem3A_294, %ne3A_295 : i32
      %lt3A_297 = arith.constant 0 : i32
      %lt3A_298 = arith.cmpi slt, %rem3A_294, %lt3A_297 : i32
      %lt3A_299 = arith.constant 0 : i32
      %lt3A_300 = arith.cmpi slt, %select_n3A_293, %lt3A_299 : i32
      %ne3A_301 = arith.xori %lt3A_298, %lt3A_300 : i1
      %and3A_302 = arith.andi %ne3A_301, %ne3A_296 : i1
      %add3A_303 = arith.addi %rem3A_294, %select_n3A_293 : i32
      %select_n3A_304 = arith.select %and3A_302, %add3A_303, %rem3A_294 : i32
      %mul3A_305 = arith.constant 128 : i32
      %mul3A_306 = arith.muli %select_n3A_304, %mul3A_305 : i32
      %add3A_307 = arith.addi %mul3A_2, %mul3A_306 : i32
      %dma_start3A_308 = arith.constant 0 : i32
      %dma_start3A_309 = tpu.memref_slice %arg6[%add3A_264, %dma_start3A_308] : memref<104x128xi32, #tpu.memory_space<vmem>> -> memref<1x128xi32, #tpu.memory_space<vmem>>
      %dma_start3A_310 = tpu.memref_squeeze %dma_start3A_309 : memref<1x128xi32, #tpu.memory_space<vmem>> -> memref<128xi32, #tpu.memory_space<vmem>>
      %dma_start3A_311 = tpu.memref_slice %arg2[%select_n3A_288, %add3A_307] : memref<26x16384xi32, #tpu.memory_space<hbm>> -> memref<1x128xi32, #tpu.memory_space<hbm>>
      %dma_start3A_312 = tpu.memref_squeeze %dma_start3A_311 : memref<1x128xi32, #tpu.memory_space<hbm>> -> memref<128xi32, #tpu.memory_space<hbm>>
      %dma_start3A_313 = arith.constant 0 : i32
      %dma_start3A_314 = tpu.memref_slice %arg6[%add3A_264, %dma_start3A_313] : memref<104x128xi32, #tpu.memory_space<vmem>> -> memref<1x128xi32, #tpu.memory_space<vmem>>
      %dma_start3A_315 = tpu.memref_squeeze %dma_start3A_314 : memref<1x128xi32, #tpu.memory_space<vmem>> -> memref<128xi32, #tpu.memory_space<vmem>>
      %dma_start3A_316 = tpu.memref_slice %arg2[%select_n3A_288, %add3A_307] : memref<26x16384xi32, #tpu.memory_space<hbm>> -> memref<1x128xi32, #tpu.memory_space<hbm>>
      %dma_start3A_317 = tpu.memref_squeeze %dma_start3A_316 : memref<1x128xi32, #tpu.memory_space<hbm>> -> memref<128xi32, #tpu.memory_space<hbm>>
      tpu.enqueue_dma source(%dma_start3A_317 : memref<128xi32, #tpu.memory_space<hbm>>) target(%dma_start3A_315 : memref<128xi32, #tpu.memory_space<vmem>>) target_semaphore(%arg10 : memref<!tpu.dma_semaphore, #tpu.memory_space<semaphore_mem>>)
      %scan3A_318 = arith.constant 3 : i32
      %scan3A_319 = arith.addi %scan3A_24, %scan3A_318 : i32
      %mul3A_320 = arith.constant 1 : i32
      %mul3A_321 = arith.muli %scan3A_319, %mul3A_320 : i32
      %add3A_322 = arith.constant 0 : i32
      %add3A_323 = arith.addi %add3A_322, %mul3A_321 : i32
      %jit3A_324 = arith.constant 26 : i32
      %eq3A_325 = arith.constant 0 : i32
      %eq3A_326 = arith.cmpi eq, %jit3A_324, %eq3A_325 : i32
      %jit3A_327 = arith.constant 1 : i32
      %select_n3A_328 = arith.select %eq3A_326, %jit3A_327, %jit3A_324 : i32
      %rem3A_329 = arith.remsi %add3A_323, %select_n3A_328 : i32
      %ne3A_330 = arith.constant 0 : i32
      %ne3A_331 = arith.cmpi ne, %rem3A_329, %ne3A_330 : i32
      %lt3A_332 = arith.constant 0 : i32
      %lt3A_333 = arith.cmpi slt, %rem3A_329, %lt3A_332 : i32
      %lt3A_334 = arith.constant 0 : i32
      %lt3A_335 = arith.cmpi slt, %select_n3A_328, %lt3A_334 : i32
      %ne3A_336 = arith.xori %lt3A_333, %lt3A_335 : i1
      %and3A_337 = arith.andi %ne3A_336, %ne3A_331 : i1
      %add3A_338 = arith.addi %rem3A_329, %select_n3A_328 : i32
      %select_n3A_339 = arith.select %and3A_337, %add3A_338, %rem3A_329 : i32
      %mul3A_340 = arith.constant 4 : i32
      %mul3A_341 = arith.muli %select_n3A_339, %mul3A_340 : i32
      %jit3A_342 = arith.constant 26 : i32
      %div3A_343 = arith.divsi %add3A_323, %jit3A_342 : i32
      %sign3A_344 = arith.constant 0 : i32
      %sign3A_345 = arith.cmpi sgt, %add3A_323, %sign3A_344 : i32
      %sign3A_346 = arith.extui %sign3A_345 : i1 to i32
      %sign3A_347 = arith.constant 0 : i32
      %sign3A_348 = arith.cmpi slt, %add3A_323, %sign3A_347 : i32
      %sign3A_349 = arith.extui %sign3A_348 : i1 to i32
      %sign3A_350 = arith.subi %sign3A_346, %sign3A_349 : i32
      %sign3A_351 = arith.constant 0 : i32
      %sign3A_352 = arith.cmpi sgt, %jit3A_342, %sign3A_351 : i32
      %sign3A_353 = arith.extui %sign3A_352 : i1 to i32
      %sign3A_354 = arith.constant 0 : i32
      %sign3A_355 = arith.cmpi slt, %jit3A_342, %sign3A_354 : i32
      %sign3A_356 = arith.extui %sign3A_355 : i1 to i32
      %sign3A_357 = arith.subi %sign3A_353, %sign3A_356 : i32
      %ne3A_358 = arith.cmpi ne, %sign3A_350, %sign3A_357 : i32
      %rem3A_359 = arith.remsi %add3A_323, %jit3A_342 : i32
      %ne3A_360 = arith.constant 0 : i32
      %ne3A_361 = arith.cmpi ne, %rem3A_359, %ne3A_360 : i32
      %and3A_362 = arith.andi %ne3A_358, %ne3A_361 : i1
      %sub3A_363 = arith.constant 1 : i32
      %sub3A_364 = arith.subi %div3A_343, %sub3A_363 : i32
      %select_n3A_365 = arith.select %and3A_362, %sub3A_364, %div3A_343 : i32
      %add3A_366 = arith.addi %mul3A_341, %select_n3A_365 : i32
      %jit3A_367 = arith.constant 4 : i32
      %div3A_368 = arith.divsi %add3A_366, %jit3A_367 : i32
      %sign3A_369 = arith.constant 0 : i32
      %sign3A_370 = arith.cmpi sgt, %add3A_366, %sign3A_369 : i32
      %sign3A_371 = arith.extui %sign3A_370 : i1 to i32
      %sign3A_372 = arith.constant 0 : i32
      %sign3A_373 = arith.cmpi slt, %add3A_366, %sign3A_372 : i32
      %sign3A_374 = arith.extui %sign3A_373 : i1 to i32
      %sign3A_375 = arith.subi %sign3A_371, %sign3A_374 : i32
      %sign3A_376 = arith.constant 0 : i32
      %sign3A_377 = arith.cmpi sgt, %jit3A_367, %sign3A_376 : i32
      %sign3A_378 = arith.extui %sign3A_377 : i1 to i32
      %sign3A_379 = arith.constant 0 : i32
      %sign3A_380 = arith.cmpi slt, %jit3A_367, %sign3A_379 : i32
      %sign3A_381 = arith.extui %sign3A_380 : i1 to i32
      %sign3A_382 = arith.subi %sign3A_378, %sign3A_381 : i32
      %ne3A_383 = arith.cmpi ne, %sign3A_375, %sign3A_382 : i32
      %rem3A_384 = arith.remsi %add3A_366, %jit3A_367 : i32
      %ne3A_385 = arith.constant 0 : i32
      %ne3A_386 = arith.cmpi ne, %rem3A_384, %ne3A_385 : i32
      %and3A_387 = arith.andi %ne3A_383, %ne3A_386 : i1
      %sub3A_388 = arith.constant 1 : i32
      %sub3A_389 = arith.subi %div3A_368, %sub3A_388 : i32
      %select_n3A_390 = arith.select %and3A_387, %sub3A_389, %div3A_368 : i32
      %jit3A_391 = arith.constant 4 : i32
      %eq3A_392 = arith.constant 0 : i32
      %eq3A_393 = arith.cmpi eq, %jit3A_391, %eq3A_392 : i32
      %jit3A_394 = arith.constant 1 : i32
      %select_n3A_395 = arith.select %eq3A_393, %jit3A_394, %jit3A_391 : i32
      %rem3A_396 = arith.remsi %add3A_366, %select_n3A_395 : i32
      %ne3A_397 = arith.constant 0 : i32
      %ne3A_398 = arith.cmpi ne, %rem3A_396, %ne3A_397 : i32
      %lt3A_399 = arith.constant 0 : i32
      %lt3A_400 = arith.cmpi slt, %rem3A_396, %lt3A_399 : i32
      %lt3A_401 = arith.constant 0 : i32
      %lt3A_402 = arith.cmpi slt, %select_n3A_395, %lt3A_401 : i32
      %ne3A_403 = arith.xori %lt3A_400, %lt3A_402 : i1
      %and3A_404 = arith.andi %ne3A_403, %ne3A_398 : i1
      %add3A_405 = arith.addi %rem3A_396, %select_n3A_395 : i32
      %select_n3A_406 = arith.select %and3A_404, %add3A_405, %rem3A_396 : i32
      %mul3A_407 = arith.constant 128 : i32
      %mul3A_408 = arith.muli %select_n3A_406, %mul3A_407 : i32
      %add3A_409 = arith.addi %mul3A_2, %mul3A_408 : i32
      %dma_start3A_410 = arith.constant 0 : i32
      %dma_start3A_411 = tpu.memref_slice %arg6[%add3A_366, %dma_start3A_410] : memref<104x128xi32, #tpu.memory_space<vmem>> -> memref<1x128xi32, #tpu.memory_space<vmem>>
      %dma_start3A_412 = tpu.memref_squeeze %dma_start3A_411 : memref<1x128xi32, #tpu.memory_space<vmem>> -> memref<128xi32, #tpu.memory_space<vmem>>
      %dma_start3A_413 = tpu.memref_slice %arg2[%select_n3A_390, %add3A_409] : memref<26x16384xi32, #tpu.memory_space<hbm>> -> memref<1x128xi32, #tpu.memory_space<hbm>>
      %dma_start3A_414 = tpu.memref_squeeze %dma_start3A_413 : memref<1x128xi32, #tpu.memory_space<hbm>> -> memref<128xi32, #tpu.memory_space<hbm>>
      %dma_start3A_415 = arith.constant 0 : i32
      %dma_start3A_416 = tpu.memref_slice %arg6[%add3A_366, %dma_start3A_415] : memref<104x128xi32, #tpu.memory_space<vmem>> -> memref<1x128xi32, #tpu.memory_space<vmem>>
      %dma_start3A_417 = tpu.memref_squeeze %dma_start3A_416 : memref<1x128xi32, #tpu.memory_space<vmem>> -> memref<128xi32, #tpu.memory_space<vmem>>
      %dma_start3A_418 = tpu.memref_slice %arg2[%select_n3A_390, %add3A_409] : memref<26x16384xi32, #tpu.memory_space<hbm>> -> memref<1x128xi32, #tpu.memory_space<hbm>>
      %dma_start3A_419 = tpu.memref_squeeze %dma_start3A_418 : memref<1x128xi32, #tpu.memory_space<hbm>> -> memref<128xi32, #tpu.memory_space<hbm>>
      tpu.enqueue_dma source(%dma_start3A_419 : memref<128xi32, #tpu.memory_space<hbm>>) target(%dma_start3A_417 : memref<128xi32, #tpu.memory_space<vmem>>) target_semaphore(%arg10 : memref<!tpu.dma_semaphore, #tpu.memory_space<semaphore_mem>>)
    }
    %scan3A_6 = arith.constant 104 : i32
    %scan3A_7 = arith.constant 0 : i32
    %scan3A_8 = arith.constant 0 : i32
    %scan3A_9 = arith.constant 104 : i32
    %scan3A_10 = arith.addi %scan3A_8, %scan3A_9 : i32
    %scan3A_11 = arith.constant 2 : i32
    scf.for %scan3A_24 = %scan3A_8 to %scan3A_10 step %scan3A_11  : i32 {
      %mul3A_25 = arith.constant 1 : i32
      %mul3A_26 = arith.muli %scan3A_24, %mul3A_25 : i32
      %add3A_27 = arith.constant 0 : i32
      %add3A_28 = arith.addi %add3A_27, %mul3A_26 : i32
      %jit3A = arith.constant 26 : i32
      %div3A = arith.divsi %add3A_28, %jit3A : i32
      %sign3A = arith.constant 0 : i32
      %sign3A_29 = arith.cmpi sgt, %add3A_28, %sign3A : i32
      %sign3A_30 = arith.extui %sign3A_29 : i1 to i32
      %sign3A_31 = arith.constant 0 : i32
      %sign3A_32 = arith.cmpi slt, %add3A_28, %sign3A_31 : i32
      %sign3A_33 = arith.extui %sign3A_32 : i1 to i32
      %sign3A_34 = arith.subi %sign3A_30, %sign3A_33 : i32
      %sign3A_35 = arith.constant 0 : i32
      %sign3A_36 = arith.cmpi sgt, %jit3A, %sign3A_35 : i32
      %sign3A_37 = arith.extui %sign3A_36 : i1 to i32
      %sign3A_38 = arith.constant 0 : i32
      %sign3A_39 = arith.cmpi slt, %jit3A, %sign3A_38 : i32
      %sign3A_40 = arith.extui %sign3A_39 : i1 to i32
      %sign3A_41 = arith.subi %sign3A_37, %sign3A_40 : i32
      %ne3A = arith.cmpi ne, %sign3A_34, %sign3A_41 : i32
      %rem3A = arith.remsi %add3A_28, %jit3A : i32
      %ne3A_42 = arith.constant 0 : i32
      %ne3A_43 = arith.cmpi ne, %rem3A, %ne3A_42 : i32
      %and3A = arith.andi %ne3A, %ne3A_43 : i1
      %sub3A = arith.constant 1 : i32
      %sub3A_44 = arith.subi %div3A, %sub3A : i32
      %select_n3A = arith.select %and3A, %sub3A_44, %div3A : i32
      %jit3A_45 = arith.constant 26 : i32
      %eq3A = arith.constant 0 : i32
      %eq3A_46 = arith.cmpi eq, %jit3A_45, %eq3A : i32
      %jit3A_47 = arith.constant 1 : i32
      %select_n3A_48 = arith.select %eq3A_46, %jit3A_47, %jit3A_45 : i32
      %rem3A_49 = arith.remsi %add3A_28, %select_n3A_48 : i32
      %ne3A_50 = arith.constant 0 : i32
      %ne3A_51 = arith.cmpi ne, %rem3A_49, %ne3A_50 : i32
      %lt3A = arith.constant 0 : i32
      %lt3A_52 = arith.cmpi slt, %rem3A_49, %lt3A : i32
      %lt3A_53 = arith.constant 0 : i32
      %lt3A_54 = arith.cmpi slt, %select_n3A_48, %lt3A_53 : i32
      %ne3A_55 = arith.xori %lt3A_52, %lt3A_54 : i1
      %and3A_56 = arith.andi %ne3A_55, %ne3A_51 : i1
      %add3A_57 = arith.addi %rem3A_49, %select_n3A_48 : i32
      %select_n3A_58 = arith.select %and3A_56, %add3A_57, %rem3A_49 : i32
      %mul3A_59 = arith.constant 4 : i32
      %mul3A_60 = arith.muli %select_n3A_58, %mul3A_59 : i32
      %add3A_61 = arith.addi %mul3A_60, %select_n3A : i32
      %mul3A_62 = arith.constant 128 : i32
      %mul3A_63 = arith.muli %select_n3A, %mul3A_62 : i32
      %add3A_64 = arith.addi %mul3A_2, %mul3A_63 : i32
      %dma_wait3A = arith.constant 0 : i32
      %dma_wait3A_65 = tpu.memref_slice %arg6[%add3A_61, %dma_wait3A] : memref<104x128xi32, #tpu.memory_space<vmem>> -> memref<1x128xi32, #tpu.memory_space<vmem>>
      %dma_wait3A_66 = tpu.memref_squeeze %dma_wait3A_65 : memref<1x128xi32, #tpu.memory_space<vmem>> -> memref<128xi32, #tpu.memory_space<vmem>>
      %dma_wait3A_67 = tpu.memref_slice %arg2[%select_n3A_58, %add3A_64] : memref<26x16384xi32, #tpu.memory_space<hbm>> -> memref<1x128xi32, #tpu.memory_space<hbm>>
      %dma_wait3A_68 = tpu.memref_squeeze %dma_wait3A_67 : memref<1x128xi32, #tpu.memory_space<hbm>> -> memref<128xi32, #tpu.memory_space<hbm>>
      %dma_wait3A_69 = arith.constant 0 : i32
      %dma_wait3A_70 = tpu.memref_slice %arg6[%add3A_61, %dma_wait3A_69] : memref<104x128xi32, #tpu.memory_space<vmem>> -> memref<1x128xi32, #tpu.memory_space<vmem>>
      %dma_wait3A_71 = tpu.memref_squeeze %dma_wait3A_70 : memref<1x128xi32, #tpu.memory_space<vmem>> -> memref<128xi32, #tpu.memory_space<vmem>>
      %dma_wait3A_72 = tpu.memref_slice %arg2[%select_n3A_58, %add3A_64] : memref<26x16384xi32, #tpu.memory_space<hbm>> -> memref<1x128xi32, #tpu.memory_space<hbm>>
      %dma_wait3A_73 = tpu.memref_squeeze %dma_wait3A_72 : memref<1x128xi32, #tpu.memory_space<hbm>> -> memref<128xi32, #tpu.memory_space<hbm>>
      tpu.wait_dma2 semaphore(%arg10 : memref<!tpu.dma_semaphore, #tpu.memory_space<semaphore_mem>>) src(%dma_wait3A_73 : memref<128xi32, #tpu.memory_space<hbm>>) dst(%dma_wait3A_71 : memref<128xi32, #tpu.memory_space<vmem>>)
      %mul3A_74 = arith.constant 100000 : i32
      %mul3A_75 = arith.muli %select_n3A_58, %mul3A_74 : i32
      %get3A = arith.index_cast %add3A_61 : i32 to index
      %get3A_76 = arith.constant 0 : index
      %get3A_77 = tpu.vector_load %arg6[%get3A, %get3A_76] {strides = array<i32>} : memref<104x128xi32, #tpu.memory_space<vmem>>, vector<1x16xi32>,
      %get3A_78 = vector.shape_cast %get3A_77 : vector<1x16xi32> to vector<16xi32>
      %add3A_79 = vector.broadcast %mul3A_75 : i32 to vector<16xi32>
      %add3A_80 = arith.addi %get3A_78, %add3A_79 : vector<16xi32>
      %swap3A = arith.index_cast %add3A_61 : i32 to index
      %swap3A_81 = arith.constant 0 : index
      %swap3A_82 = tpu.vector_load %arg6[%swap3A, %swap3A_81] {strides = array<i32>} : memref<104x128xi32, #tpu.memory_space<vmem>>, vector<1x16xi32>,
      %swap3A_83 = vector.shape_cast %swap3A_82 : vector<1x16xi32> to vector<16xi32>
      %swap3A_84 = vector.shape_cast %add3A_80 : vector<16xi32> to vector<1x16xi32>
      tpu.vector_store %arg6[%swap3A, %swap3A_81], %swap3A_84 {strides = array<i32>} : memref<104x128xi32, #tpu.memory_space<vmem>>, vector<1x16xi32>,
      %get3A_85 = arith.index_cast %add3A_61 : i32 to index
      %get3A_86 = arith.constant 16 : index
      %get3A_87 = tpu.vector_load %arg6[%get3A_85, %get3A_86] {strides = array<i32>} : memref<104x128xi32, #tpu.memory_space<vmem>>, vector<1x16xi32>,
      %get3A_88 = vector.shape_cast %get3A_87 : vector<1x16xi32> to vector<16xi32>
      %add3A_89 = vector.broadcast %mul3A_75 : i32 to vector<16xi32>
      %add3A_90 = arith.addi %get3A_88, %add3A_89 : vector<16xi32>
      %swap3A_91 = arith.index_cast %add3A_61 : i32 to index
      %swap3A_92 = arith.constant 16 : index
      %swap3A_93 = tpu.vector_load %arg6[%swap3A_91, %swap3A_92] {strides = array<i32>} : memref<104x128xi32, #tpu.memory_space<vmem>>, vector<1x16xi32>,
      %swap3A_94 = vector.shape_cast %swap3A_93 : vector<1x16xi32> to vector<16xi32>
      %swap3A_95 = vector.shape_cast %add3A_90 : vector<16xi32> to vector<1x16xi32>
      tpu.vector_store %arg6[%swap3A_91, %swap3A_92], %swap3A_95 {strides = array<i32>} : memref<104x128xi32, #tpu.memory_space<vmem>>, vector<1x16xi32>,
      %get3A_96 = arith.index_cast %add3A_61 : i32 to index
      %get3A_97 = arith.constant 32 : index
      %get3A_98 = tpu.vector_load %arg6[%get3A_96, %get3A_97] {strides = array<i32>} : memref<104x128xi32, #tpu.memory_space<vmem>>, vector<1x16xi32>,
      %get3A_99 = vector.shape_cast %get3A_98 : vector<1x16xi32> to vector<16xi32>
      %add3A_100 = vector.broadcast %mul3A_75 : i32 to vector<16xi32>
      %add3A_101 = arith.addi %get3A_99, %add3A_100 : vector<16xi32>
      %swap3A_102 = arith.index_cast %add3A_61 : i32 to index
      %swap3A_103 = arith.constant 32 : index
      %swap3A_104 = tpu.vector_load %arg6[%swap3A_102, %swap3A_103] {strides = array<i32>} : memref<104x128xi32, #tpu.memory_space<vmem>>, vector<1x16xi32>,
      %swap3A_105 = vector.shape_cast %swap3A_104 : vector<1x16xi32> to vector<16xi32>
      %swap3A_106 = vector.shape_cast %add3A_101 : vector<16xi32> to vector<1x16xi32>
      tpu.vector_store %arg6[%swap3A_102, %swap3A_103], %swap3A_106 {strides = array<i32>} : memref<104x128xi32, #tpu.memory_space<vmem>>, vector<1x16xi32>,
      %get3A_107 = arith.index_cast %add3A_61 : i32 to index
      %get3A_108 = arith.constant 48 : index
      %get3A_109 = tpu.vector_load %arg6[%get3A_107, %get3A_108] {strides = array<i32>} : memref<104x128xi32, #tpu.memory_space<vmem>>, vector<1x16xi32>,
      %get3A_110 = vector.shape_cast %get3A_109 : vector<1x16xi32> to vector<16xi32>
      %add3A_111 = vector.broadcast %mul3A_75 : i32 to vector<16xi32>
      %add3A_112 = arith.addi %get3A_110, %add3A_111 : vector<16xi32>
      %swap3A_113 = arith.index_cast %add3A_61 : i32 to index
      %swap3A_114 = arith.constant 48 : index
      %swap3A_115 = tpu.vector_load %arg6[%swap3A_113, %swap3A_114] {strides = array<i32>} : memref<104x128xi32, #tpu.memory_space<vmem>>, vector<1x16xi32>,
      %swap3A_116 = vector.shape_cast %swap3A_115 : vector<1x16xi32> to vector<16xi32>
      %swap3A_117 = vector.shape_cast %add3A_112 : vector<16xi32> to vector<1x16xi32>
      tpu.vector_store %arg6[%swap3A_113, %swap3A_114], %swap3A_117 {strides = array<i32>} : memref<104x128xi32, #tpu.memory_space<vmem>>, vector<1x16xi32>,
      %get3A_118 = arith.index_cast %add3A_61 : i32 to index
      %get3A_119 = arith.constant 64 : index
      %get3A_120 = tpu.vector_load %arg6[%get3A_118, %get3A_119] {strides = array<i32>} : memref<104x128xi32, #tpu.memory_space<vmem>>, vector<1x16xi32>,
      %get3A_121 = vector.shape_cast %get3A_120 : vector<1x16xi32> to vector<16xi32>
      %add3A_122 = vector.broadcast %mul3A_75 : i32 to vector<16xi32>
      %add3A_123 = arith.addi %get3A_121, %add3A_122 : vector<16xi32>
      %swap3A_124 = arith.index_cast %add3A_61 : i32 to index
      %swap3A_125 = arith.constant 64 : index
      %swap3A_126 = tpu.vector_load %arg6[%swap3A_124, %swap3A_125] {strides = array<i32>} : memref<104x128xi32, #tpu.memory_space<vmem>>, vector<1x16xi32>,
      %swap3A_127 = vector.shape_cast %swap3A_126 : vector<1x16xi32> to vector<16xi32>
      %swap3A_128 = vector.shape_cast %add3A_123 : vector<16xi32> to vector<1x16xi32>
      tpu.vector_store %arg6[%swap3A_124, %swap3A_125], %swap3A_128 {strides = array<i32>} : memref<104x128xi32, #tpu.memory_space<vmem>>, vector<1x16xi32>,
      %get3A_129 = arith.index_cast %add3A_61 : i32 to index
      %get3A_130 = arith.constant 80 : index
      %get3A_131 = tpu.vector_load %arg6[%get3A_129, %get3A_130] {strides = array<i32>} : memref<104x128xi32, #tpu.memory_space<vmem>>, vector<1x16xi32>,
      %get3A_132 = vector.shape_cast %get3A_131 : vector<1x16xi32> to vector<16xi32>
      %add3A_133 = vector.broadcast %mul3A_75 : i32 to vector<16xi32>
      %add3A_134 = arith.addi %get3A_132, %add3A_133 : vector<16xi32>
      %swap3A_135 = arith.index_cast %add3A_61 : i32 to index
      %swap3A_136 = arith.constant 80 : index
      %swap3A_137 = tpu.vector_load %arg6[%swap3A_135, %swap3A_136] {strides = array<i32>} : memref<104x128xi32, #tpu.memory_space<vmem>>, vector<1x16xi32>,
      %swap3A_138 = vector.shape_cast %swap3A_137 : vector<1x16xi32> to vector<16xi32>
      %swap3A_139 = vector.shape_cast %add3A_134 : vector<16xi32> to vector<1x16xi32>
      tpu.vector_store %arg6[%swap3A_135, %swap3A_136], %swap3A_139 {strides = array<i32>} : memref<104x128xi32, #tpu.memory_space<vmem>>, vector<1x16xi32>,
      %get3A_140 = arith.index_cast %add3A_61 : i32 to index
      %get3A_141 = arith.constant 96 : index
      %get3A_142 = tpu.vector_load %arg6[%get3A_140, %get3A_141] {strides = array<i32>} : memref<104x128xi32, #tpu.memory_space<vmem>>, vector<1x16xi32>,
      %get3A_143 = vector.shape_cast %get3A_142 : vector<1x16xi32> to vector<16xi32>
      %add3A_144 = vector.broadcast %mul3A_75 : i32 to vector<16xi32>
      %add3A_145 = arith.addi %get3A_143, %add3A_144 : vector<16xi32>
      %swap3A_146 = arith.index_cast %add3A_61 : i32 to index
      %swap3A_147 = arith.constant 96 : index
      %swap3A_148 = tpu.vector_load %arg6[%swap3A_146, %swap3A_147] {strides = array<i32>} : memref<104x128xi32, #tpu.memory_space<vmem>>, vector<1x16xi32>,
      %swap3A_149 = vector.shape_cast %swap3A_148 : vector<1x16xi32> to vector<16xi32>
      %swap3A_150 = vector.shape_cast %add3A_145 : vector<16xi32> to vector<1x16xi32>
      tpu.vector_store %arg6[%swap3A_146, %swap3A_147], %swap3A_150 {strides = array<i32>} : memref<104x128xi32, #tpu.memory_space<vmem>>, vector<1x16xi32>,
      %get3A_151 = arith.index_cast %add3A_61 : i32 to index
      %get3A_152 = arith.constant 112 : index
      %get3A_153 = tpu.vector_load %arg6[%get3A_151, %get3A_152] {strides = array<i32>} : memref<104x128xi32, #tpu.memory_space<vmem>>, vector<1x16xi32>,
      %get3A_154 = vector.shape_cast %get3A_153 : vector<1x16xi32> to vector<16xi32>
      %add3A_155 = vector.broadcast %mul3A_75 : i32 to vector<16xi32>
      %add3A_156 = arith.addi %get3A_154, %add3A_155 : vector<16xi32>
      %swap3A_157 = arith.index_cast %add3A_61 : i32 to index
      %swap3A_158 = arith.constant 112 : index
      %swap3A_159 = tpu.vector_load %arg6[%swap3A_157, %swap3A_158] {strides = array<i32>} : memref<104x128xi32, #tpu.memory_space<vmem>>, vector<1x16xi32>,
      %swap3A_160 = vector.shape_cast %swap3A_159 : vector<1x16xi32> to vector<16xi32>
      %swap3A_161 = vector.shape_cast %add3A_156 : vector<16xi32> to vector<1x16xi32>
      tpu.vector_store %arg6[%swap3A_157, %swap3A_158], %swap3A_161 {strides = array<i32>} : memref<104x128xi32, #tpu.memory_space<vmem>>, vector<1x16xi32>,
      %dma_start3A = arith.constant 0 : i32
      %dma_start3A_162 = tpu.memref_slice %arg7[%add3A_61, %dma_start3A] : memref<104x128xf32, #tpu.memory_space<vmem>> -> memref<1x128xf32, #tpu.memory_space<vmem>>
      %dma_start3A_163 = tpu.memref_squeeze %dma_start3A_162 : memref<1x128xf32, #tpu.memory_space<vmem>> -> memref<128xf32, #tpu.memory_space<vmem>>
      %dma_start3A_164 = arith.constant 0 : i32
      %dma_start3A_165 = tpu.memref_slice %arg6[%add3A_61, %dma_start3A_164] : memref<104x128xi32, #tpu.memory_space<vmem>> -> memref<1x128xi32, #tpu.memory_space<vmem>>
      %dma_start3A_166 = tpu.memref_squeeze %dma_start3A_165 : memref<1x128xi32, #tpu.memory_space<vmem>> -> memref<128xi32, #tpu.memory_space<vmem>>
      %dma_start3A_167 = arith.constant 0 : i32
      %dma_start3A_168 = tpu.memref_slice %arg3[%scan3A_7, %dma_start3A_167] : memref<1x2600000xf32, #tpu.memory_space<hbm>> -> memref<1x2600000xf32, #tpu.memory_space<hbm>>
      %dma_start3A_169 = tpu.memref_squeeze %dma_start3A_168 : memref<1x2600000xf32, #tpu.memory_space<hbm>> -> memref<2600000xf32, #tpu.memory_space<hbm>>
      %dma_start3A_170 = arith.constant 0 : i32
      %dma_start3A_171 = tpu.memref_slice %dma_start3A_169[%dma_start3A_170] : memref<2600000xf32, #tpu.memory_space<hbm>> -> memref<2600000xf32, #tpu.memory_space<hbm>>
      tpu.enqueue_indirect_dma source(%dma_start3A_171 : memref<2600000xf32, #tpu.memory_space<hbm>>) target(%dma_start3A_163 : memref<128xf32, #tpu.memory_space<vmem>>) offsets(%dma_start3A_166 : memref<128xi32, #tpu.memory_space<vmem>>) semaphore(%arg11 : memref<!tpu.dma_semaphore, #tpu.memory_space<semaphore_mem>>)
      %scan3A_172 = arith.constant 1 : i32
      %scan3A_173 = arith.addi %scan3A_24, %scan3A_172 : i32
      %mul3A_174 = arith.constant 1 : i32
      %mul3A_175 = arith.muli %scan3A_173, %mul3A_174 : i32
      %add3A_176 = arith.constant 0 : i32
      %add3A_177 = arith.addi %add3A_176, %mul3A_175 : i32
      %jit3A_178 = arith.constant 26 : i32
      %div3A_179 = arith.divsi %add3A_177, %jit3A_178 : i32
      %sign3A_180 = arith.constant 0 : i32
      %sign3A_181 = arith.cmpi sgt, %add3A_177, %sign3A_180 : i32
      %sign3A_182 = arith.extui %sign3A_181 : i1 to i32
      %sign3A_183 = arith.constant 0 : i32
      %sign3A_184 = arith.cmpi slt, %add3A_177, %sign3A_183 : i32
      %sign3A_185 = arith.extui %sign3A_184 : i1 to i32
      %sign3A_186 = arith.subi %sign3A_182, %sign3A_185 : i32
      %sign3A_187 = arith.constant 0 : i32
      %sign3A_188 = arith.cmpi sgt, %jit3A_178, %sign3A_187 : i32
      %sign3A_189 = arith.extui %sign3A_188 : i1 to i32
      %sign3A_190 = arith.constant 0 : i32
      %sign3A_191 = arith.cmpi slt, %jit3A_178, %sign3A_190 : i32
      %sign3A_192 = arith.extui %sign3A_191 : i1 to i32
      %sign3A_193 = arith.subi %sign3A_189, %sign3A_192 : i32
      %ne3A_194 = arith.cmpi ne, %sign3A_186, %sign3A_193 : i32
      %rem3A_195 = arith.remsi %add3A_177, %jit3A_178 : i32
      %ne3A_196 = arith.constant 0 : i32
      %ne3A_197 = arith.cmpi ne, %rem3A_195, %ne3A_196 : i32
      %and3A_198 = arith.andi %ne3A_194, %ne3A_197 : i1
      %sub3A_199 = arith.constant 1 : i32
      %sub3A_200 = arith.subi %div3A_179, %sub3A_199 : i32
      %select_n3A_201 = arith.select %and3A_198, %sub3A_200, %div3A_179 : i32
      %jit3A_202 = arith.constant 26 : i32
      %eq3A_203 = arith.constant 0 : i32
      %eq3A_204 = arith.cmpi eq, %jit3A_202, %eq3A_203 : i32
      %jit3A_205 = arith.constant 1 : i32
      %select_n3A_206 = arith.select %eq3A_204, %jit3A_205, %jit3A_202 : i32
      %rem3A_207 = arith.remsi %add3A_177, %select_n3A_206 : i32
      %ne3A_208 = arith.constant 0 : i32
      %ne3A_209 = arith.cmpi ne, %rem3A_207, %ne3A_208 : i32
      %lt3A_210 = arith.constant 0 : i32
      %lt3A_211 = arith.cmpi slt, %rem3A_207, %lt3A_210 : i32
      %lt3A_212 = arith.constant 0 : i32
      %lt3A_213 = arith.cmpi slt, %select_n3A_206, %lt3A_212 : i32
      %ne3A_214 = arith.xori %lt3A_211, %lt3A_213 : i1
      %and3A_215 = arith.andi %ne3A_214, %ne3A_209 : i1
      %add3A_216 = arith.addi %rem3A_207, %select_n3A_206 : i32
      %select_n3A_217 = arith.select %and3A_215, %add3A_216, %rem3A_207 : i32
      %mul3A_218 = arith.constant 4 : i32
      %mul3A_219 = arith.muli %select_n3A_217, %mul3A_218 : i32
      %add3A_220 = arith.addi %mul3A_219, %select_n3A_201 : i32
      %mul3A_221 = arith.constant 128 : i32
      %mul3A_222 = arith.muli %select_n3A_201, %mul3A_221 : i32
      %add3A_223 = arith.addi %mul3A_2, %mul3A_222 : i32
      %dma_wait3A_224 = arith.constant 0 : i32
      %dma_wait3A_225 = tpu.memref_slice %arg6[%add3A_220, %dma_wait3A_224] : memref<104x128xi32, #tpu.memory_space<vmem>> -> memref<1x128xi32, #tpu.memory_space<vmem>>
      %dma_wait3A_226 = tpu.memref_squeeze %dma_wait3A_225 : memref<1x128xi32, #tpu.memory_space<vmem>> -> memref<128xi32, #tpu.memory_space<vmem>>
      %dma_wait3A_227 = tpu.memref_slice %arg2[%select_n3A_217, %add3A_223] : memref<26x16384xi32, #tpu.memory_space<hbm>> -> memref<1x128xi32, #tpu.memory_space<hbm>>
      %dma_wait3A_228 = tpu.memref_squeeze %dma_wait3A_227 : memref<1x128xi32, #tpu.memory_space<hbm>> -> memref<128xi32, #tpu.memory_space<hbm>>
      %dma_wait3A_229 = arith.constant 0 : i32
      %dma_wait3A_230 = tpu.memref_slice %arg6[%add3A_220, %dma_wait3A_229] : memref<104x128xi32, #tpu.memory_space<vmem>> -> memref<1x128xi32, #tpu.memory_space<vmem>>
      %dma_wait3A_231 = tpu.memref_squeeze %dma_wait3A_230 : memref<1x128xi32, #tpu.memory_space<vmem>> -> memref<128xi32, #tpu.memory_space<vmem>>
      %dma_wait3A_232 = tpu.memref_slice %arg2[%select_n3A_217, %add3A_223] : memref<26x16384xi32, #tpu.memory_space<hbm>> -> memref<1x128xi32, #tpu.memory_space<hbm>>
      %dma_wait3A_233 = tpu.memref_squeeze %dma_wait3A_232 : memref<1x128xi32, #tpu.memory_space<hbm>> -> memref<128xi32, #tpu.memory_space<hbm>>
      tpu.wait_dma2 semaphore(%arg10 : memref<!tpu.dma_semaphore, #tpu.memory_space<semaphore_mem>>) src(%dma_wait3A_233 : memref<128xi32, #tpu.memory_space<hbm>>) dst(%dma_wait3A_231 : memref<128xi32, #tpu.memory_space<vmem>>)
      %mul3A_234 = arith.constant 100000 : i32
      %mul3A_235 = arith.muli %select_n3A_217, %mul3A_234 : i32
      %get3A_236 = arith.index_cast %add3A_220 : i32 to index
      %get3A_237 = arith.constant 0 : index
      %get3A_238 = tpu.vector_load %arg6[%get3A_236, %get3A_237] {strides = array<i32>} : memref<104x128xi32, #tpu.memory_space<vmem>>, vector<1x16xi32>,
      %get3A_239 = vector.shape_cast %get3A_238 : vector<1x16xi32> to vector<16xi32>
      %add3A_240 = vector.broadcast %mul3A_235 : i32 to vector<16xi32>
      %add3A_241 = arith.addi %get3A_239, %add3A_240 : vector<16xi32>
      %swap3A_242 = arith.index_cast %add3A_220 : i32 to index
      %swap3A_243 = arith.constant 0 : index
      %swap3A_244 = tpu.vector_load %arg6[%swap3A_242, %swap3A_243] {strides = array<i32>} : memref<104x128xi32, #tpu.memory_space<vmem>>, vector<1x16xi32>,
      %swap3A_245 = vector.shape_cast %swap3A_244 : vector<1x16xi32> to vector<16xi32>
      %swap3A_246 = vector.shape_cast %add3A_241 : vector<16xi32> to vector<1x16xi32>
      tpu.vector_store %arg6[%swap3A_242, %swap3A_243], %swap3A_246 {strides = array<i32>} : memref<104x128xi32, #tpu.memory_space<vmem>>, vector<1x16xi32>,
      %get3A_247 = arith.index_cast %add3A_220 : i32 to index
      %get3A_248 = arith.constant 16 : index
      %get3A_249 = tpu.vector_load %arg6[%get3A_247, %get3A_248] {strides = array<i32>} : memref<104x128xi32, #tpu.memory_space<vmem>>, vector<1x16xi32>,
      %get3A_250 = vector.shape_cast %get3A_249 : vector<1x16xi32> to vector<16xi32>
      %add3A_251 = vector.broadcast %mul3A_235 : i32 to vector<16xi32>
      %add3A_252 = arith.addi %get3A_250, %add3A_251 : vector<16xi32>
      %swap3A_253 = arith.index_cast %add3A_220 : i32 to index
      %swap3A_254 = arith.constant 16 : index
      %swap3A_255 = tpu.vector_load %arg6[%swap3A_253, %swap3A_254] {strides = array<i32>} : memref<104x128xi32, #tpu.memory_space<vmem>>, vector<1x16xi32>,
      %swap3A_256 = vector.shape_cast %swap3A_255 : vector<1x16xi32> to vector<16xi32>
      %swap3A_257 = vector.shape_cast %add3A_252 : vector<16xi32> to vector<1x16xi32>
      tpu.vector_store %arg6[%swap3A_253, %swap3A_254], %swap3A_257 {strides = array<i32>} : memref<104x128xi32, #tpu.memory_space<vmem>>, vector<1x16xi32>,
      %get3A_258 = arith.index_cast %add3A_220 : i32 to index
      %get3A_259 = arith.constant 32 : index
      %get3A_260 = tpu.vector_load %arg6[%get3A_258, %get3A_259] {strides = array<i32>} : memref<104x128xi32, #tpu.memory_space<vmem>>, vector<1x16xi32>,
      %get3A_261 = vector.shape_cast %get3A_260 : vector<1x16xi32> to vector<16xi32>
      %add3A_262 = vector.broadcast %mul3A_235 : i32 to vector<16xi32>
      %add3A_263 = arith.addi %get3A_261, %add3A_262 : vector<16xi32>
      %swap3A_264 = arith.index_cast %add3A_220 : i32 to index
      %swap3A_265 = arith.constant 32 : index
      %swap3A_266 = tpu.vector_load %arg6[%swap3A_264, %swap3A_265] {strides = array<i32>} : memref<104x128xi32, #tpu.memory_space<vmem>>, vector<1x16xi32>,
      %swap3A_267 = vector.shape_cast %swap3A_266 : vector<1x16xi32> to vector<16xi32>
      %swap3A_268 = vector.shape_cast %add3A_263 : vector<16xi32> to vector<1x16xi32>
      tpu.vector_store %arg6[%swap3A_264, %swap3A_265], %swap3A_268 {strides = array<i32>} : memref<104x128xi32, #tpu.memory_space<vmem>>, vector<1x16xi32>,
      %get3A_269 = arith.index_cast %add3A_220 : i32 to index
      %get3A_270 = arith.constant 48 : index
      %get3A_271 = tpu.vector_load %arg6[%get3A_269, %get3A_270] {strides = array<i32>} : memref<104x128xi32, #tpu.memory_space<vmem>>, vector<1x16xi32>,
      %get3A_272 = vector.shape_cast %get3A_271 : vector<1x16xi32> to vector<16xi32>
      %add3A_273 = vector.broadcast %mul3A_235 : i32 to vector<16xi32>
      %add3A_274 = arith.addi %get3A_272, %add3A_273 : vector<16xi32>
      %swap3A_275 = arith.index_cast %add3A_220 : i32 to index
      %swap3A_276 = arith.constant 48 : index
      %swap3A_277 = tpu.vector_load %arg6[%swap3A_275, %swap3A_276] {strides = array<i32>} : memref<104x128xi32, #tpu.memory_space<vmem>>, vector<1x16xi32>,
      %swap3A_278 = vector.shape_cast %swap3A_277 : vector<1x16xi32> to vector<16xi32>
      %swap3A_279 = vector.shape_cast %add3A_274 : vector<16xi32> to vector<1x16xi32>
      tpu.vector_store %arg6[%swap3A_275, %swap3A_276], %swap3A_279 {strides = array<i32>} : memref<104x128xi32, #tpu.memory_space<vmem>>, vector<1x16xi32>,
      %get3A_280 = arith.index_cast %add3A_220 : i32 to index
      %get3A_281 = arith.constant 64 : index
      %get3A_282 = tpu.vector_load %arg6[%get3A_280, %get3A_281] {strides = array<i32>} : memref<104x128xi32, #tpu.memory_space<vmem>>, vector<1x16xi32>,
      %get3A_283 = vector.shape_cast %get3A_282 : vector<1x16xi32> to vector<16xi32>
      %add3A_284 = vector.broadcast %mul3A_235 : i32 to vector<16xi32>
      %add3A_285 = arith.addi %get3A_283, %add3A_284 : vector<16xi32>
      %swap3A_286 = arith.index_cast %add3A_220 : i32 to index
      %swap3A_287 = arith.constant 64 : index
      %swap3A_288 = tpu.vector_load %arg6[%swap3A_286, %swap3A_287] {strides = array<i32>} : memref<104x128xi32, #tpu.memory_space<vmem>>, vector<1x16xi32>,
      %swap3A_289 = vector.shape_cast %swap3A_288 : vector<1x16xi32> to vector<16xi32>
      %swap3A_290 = vector.shape_cast %add3A_285 : vector<16xi32> to vector<1x16xi32>
      tpu.vector_store %arg6[%swap3A_286, %swap3A_287], %swap3A_290 {strides = array<i32>} : memref<104x128xi32, #tpu.memory_space<vmem>>, vector<1x16xi32>,
      %get3A_291 = arith.index_cast %add3A_220 : i32 to index
      %get3A_292 = arith.constant 80 : index
      %get3A_293 = tpu.vector_load %arg6[%get3A_291, %get3A_292] {strides = array<i32>} : memref<104x128xi32, #tpu.memory_space<vmem>>, vector<1x16xi32>,
      %get3A_294 = vector.shape_cast %get3A_293 : vector<1x16xi32> to vector<16xi32>
      %add3A_295 = vector.broadcast %mul3A_235 : i32 to vector<16xi32>
      %add3A_296 = arith.addi %get3A_294, %add3A_295 : vector<16xi32>
      %swap3A_297 = arith.index_cast %add3A_220 : i32 to index
      %swap3A_298 = arith.constant 80 : index
      %swap3A_299 = tpu.vector_load %arg6[%swap3A_297, %swap3A_298] {strides = array<i32>} : memref<104x128xi32, #tpu.memory_space<vmem>>, vector<1x16xi32>,
      %swap3A_300 = vector.shape_cast %swap3A_299 : vector<1x16xi32> to vector<16xi32>
      %swap3A_301 = vector.shape_cast %add3A_296 : vector<16xi32> to vector<1x16xi32>
      tpu.vector_store %arg6[%swap3A_297, %swap3A_298], %swap3A_301 {strides = array<i32>} : memref<104x128xi32, #tpu.memory_space<vmem>>, vector<1x16xi32>,
      %get3A_302 = arith.index_cast %add3A_220 : i32 to index
      %get3A_303 = arith.constant 96 : index
      %get3A_304 = tpu.vector_load %arg6[%get3A_302, %get3A_303] {strides = array<i32>} : memref<104x128xi32, #tpu.memory_space<vmem>>, vector<1x16xi32>,
      %get3A_305 = vector.shape_cast %get3A_304 : vector<1x16xi32> to vector<16xi32>
      %add3A_306 = vector.broadcast %mul3A_235 : i32 to vector<16xi32>
      %add3A_307 = arith.addi %get3A_305, %add3A_306 : vector<16xi32>
      %swap3A_308 = arith.index_cast %add3A_220 : i32 to index
      %swap3A_309 = arith.constant 96 : index
      %swap3A_310 = tpu.vector_load %arg6[%swap3A_308, %swap3A_309] {strides = array<i32>} : memref<104x128xi32, #tpu.memory_space<vmem>>, vector<1x16xi32>,
      %swap3A_311 = vector.shape_cast %swap3A_310 : vector<1x16xi32> to vector<16xi32>
      %swap3A_312 = vector.shape_cast %add3A_307 : vector<16xi32> to vector<1x16xi32>
      tpu.vector_store %arg6[%swap3A_308, %swap3A_309], %swap3A_312 {strides = array<i32>} : memref<104x128xi32, #tpu.memory_space<vmem>>, vector<1x16xi32>,
      %get3A_313 = arith.index_cast %add3A_220 : i32 to index
      %get3A_314 = arith.constant 112 : index
      %get3A_315 = tpu.vector_load %arg6[%get3A_313, %get3A_314] {strides = array<i32>} : memref<104x128xi32, #tpu.memory_space<vmem>>, vector<1x16xi32>,
      %get3A_316 = vector.shape_cast %get3A_315 : vector<1x16xi32> to vector<16xi32>
      %add3A_317 = vector.broadcast %mul3A_235 : i32 to vector<16xi32>
      %add3A_318 = arith.addi %get3A_316, %add3A_317 : vector<16xi32>
      %swap3A_319 = arith.index_cast %add3A_220 : i32 to index
      %swap3A_320 = arith.constant 112 : index
      %swap3A_321 = tpu.vector_load %arg6[%swap3A_319, %swap3A_320] {strides = array<i32>} : memref<104x128xi32, #tpu.memory_space<vmem>>, vector<1x16xi32>,
      %swap3A_322 = vector.shape_cast %swap3A_321 : vector<1x16xi32> to vector<16xi32>
      %swap3A_323 = vector.shape_cast %add3A_318 : vector<16xi32> to vector<1x16xi32>
      tpu.vector_store %arg6[%swap3A_319, %swap3A_320], %swap3A_323 {strides = array<i32>} : memref<104x128xi32, #tpu.memory_space<vmem>>, vector<1x16xi32>,
      %dma_start3A_324 = arith.constant 0 : i32
      %dma_start3A_325 = tpu.memref_slice %arg7[%add3A_220, %dma_start3A_324] : memref<104x128xf32, #tpu.memory_space<vmem>> -> memref<1x128xf32, #tpu.memory_space<vmem>>
      %dma_start3A_326 = tpu.memref_squeeze %dma_start3A_325 : memref<1x128xf32, #tpu.memory_space<vmem>> -> memref<128xf32, #tpu.memory_space<vmem>>
      %dma_start3A_327 = arith.constant 0 : i32
      %dma_start3A_328 = tpu.memref_slice %arg6[%add3A_220, %dma_start3A_327] : memref<104x128xi32, #tpu.memory_space<vmem>> -> memref<1x128xi32, #tpu.memory_space<vmem>>
      %dma_start3A_329 = tpu.memref_squeeze %dma_start3A_328 : memref<1x128xi32, #tpu.memory_space<vmem>> -> memref<128xi32, #tpu.memory_space<vmem>>
      %dma_start3A_330 = arith.constant 0 : i32
      %dma_start3A_331 = tpu.memref_slice %arg3[%scan3A_7, %dma_start3A_330] : memref<1x2600000xf32, #tpu.memory_space<hbm>> -> memref<1x2600000xf32, #tpu.memory_space<hbm>>
      %dma_start3A_332 = tpu.memref_squeeze %dma_start3A_331 : memref<1x2600000xf32, #tpu.memory_space<hbm>> -> memref<2600000xf32, #tpu.memory_space<hbm>>
      %dma_start3A_333 = arith.constant 0 : i32
      %dma_start3A_334 = tpu.memref_slice %dma_start3A_332[%dma_start3A_333] : memref<2600000xf32, #tpu.memory_space<hbm>> -> memref<2600000xf32, #tpu.memory_space<hbm>>
      tpu.enqueue_indirect_dma source(%dma_start3A_334 : memref<2600000xf32, #tpu.memory_space<hbm>>) target(%dma_start3A_326 : memref<128xf32, #tpu.memory_space<vmem>>) offsets(%dma_start3A_329 : memref<128xi32, #tpu.memory_space<vmem>>) semaphore(%arg11 : memref<!tpu.dma_semaphore, #tpu.memory_space<semaphore_mem>>)
    }
    %scan3A_12 = arith.constant 104 : i32
    tpu.wait_dma2 semaphore(%arg12 : memref<!tpu.dma_semaphore, #tpu.memory_space<semaphore_mem>>) src(%arg4 : memref<16xf32, #tpu.memory_space<hbm>>) dst(%arg9 : memref<16xf32, #tpu.memory_space<vmem>>)
    %scan3A_13 = arith.constant 0 : i32
    %scan3A_14 = arith.constant 0 : i32
    %scan3A_15 = arith.constant 4 : i32
    %scan3A_16 = arith.addi %scan3A_14, %scan3A_15 : i32
    %scan3A_17 = arith.constant 1 : i32
    scf.for %scan3A_24 = %scan3A_14 to %scan3A_16 step %scan3A_17  : i32 {
      %mul3A_25 = arith.constant 1 : i32
      %mul3A_26 = arith.muli %scan3A_24, %mul3A_25 : i32
      %add3A_27 = arith.constant 0 : i32
      %add3A_28 = arith.addi %add3A_27, %mul3A_26 : i32
      %scan3A_29 = arith.constant 0 : i32
      %scan3A_30 = arith.constant 26 : i32
      %scan3A_31 = arith.addi %scan3A_29, %scan3A_30 : i32
      %scan3A_32 = arith.constant 2 : i32
      scf.for %scan3A_47 = %scan3A_29 to %scan3A_31 step %scan3A_32  : i32 {
        %mul3A_48 = arith.constant 1 : i32
        %mul3A_49 = arith.muli %scan3A_47, %mul3A_48 : i32
        %add3A_50 = arith.constant 0 : i32
        %add3A_51 = arith.addi %add3A_50, %mul3A_49 : i32
        %dma_wait3A = arith.constant 0 : i32
        %dma_wait3A_52 = arith.constant 0 : i32
        %dma_wait3A_53 = arith.constant 0 : i32
        %dma_wait3A_54 = tpu.memref_slice %arg7[%dma_wait3A_52, %dma_wait3A_53] : memref<104x128xf32, #tpu.memory_space<vmem>> -> memref<1x128xf32, #tpu.memory_space<vmem>>
        %dma_wait3A_55 = tpu.memref_squeeze %dma_wait3A_54 : memref<1x128xf32, #tpu.memory_space<vmem>> -> memref<128xf32, #tpu.memory_space<vmem>>
        %dma_wait3A_56 = arith.constant 0 : i32
        %dma_wait3A_57 = tpu.memref_slice %arg6[%dma_wait3A, %dma_wait3A_56] : memref<104x128xi32, #tpu.memory_space<vmem>> -> memref<1x128xi32, #tpu.memory_space<vmem>>
        %dma_wait3A_58 = tpu.memref_squeeze %dma_wait3A_57 : memref<1x128xi32, #tpu.memory_space<vmem>> -> memref<128xi32, #tpu.memory_space<vmem>>
        %dma_wait3A_59 = arith.constant 0 : i32
        %dma_wait3A_60 = tpu.memref_slice %arg3[%scan3A_13, %dma_wait3A_59] : memref<1x2600000xf32, #tpu.memory_space<hbm>> -> memref<1x2600000xf32, #tpu.memory_space<hbm>>
        %dma_wait3A_61 = tpu.memref_squeeze %dma_wait3A_60 : memref<1x2600000xf32, #tpu.memory_space<hbm>> -> memref<2600000xf32, #tpu.memory_space<hbm>>
        %dma_wait3A_62 = arith.constant 0 : i32
        %dma_wait3A_63 = tpu.memref_slice %dma_wait3A_61[%dma_wait3A_62] : memref<2600000xf32, #tpu.memory_space<hbm>> -> memref<2600000xf32, #tpu.memory_space<hbm>>
        tpu.wait_indirect_dma semaphore(%arg11 : memref<!tpu.dma_semaphore, #tpu.memory_space<semaphore_mem>>) src(%dma_wait3A_63 : memref<2600000xf32, #tpu.memory_space<hbm>>) dst(%dma_wait3A_55 : memref<128xf32, #tpu.memory_space<vmem>>)
        %scan3A_64 = arith.constant 1 : i32
        %scan3A_65 = arith.addi %scan3A_47, %scan3A_64 : i32
        %mul3A_66 = arith.constant 1 : i32
        %mul3A_67 = arith.muli %scan3A_65, %mul3A_66 : i32
        %add3A_68 = arith.constant 0 : i32
        %add3A_69 = arith.addi %add3A_68, %mul3A_67 : i32
        %dma_wait3A_70 = arith.constant 0 : i32
        %dma_wait3A_71 = arith.constant 0 : i32
        %dma_wait3A_72 = arith.constant 0 : i32
        %dma_wait3A_73 = tpu.memref_slice %arg7[%dma_wait3A_71, %dma_wait3A_72] : memref<104x128xf32, #tpu.memory_space<vmem>> -> memref<1x128xf32, #tpu.memory_space<vmem>>
        %dma_wait3A_74 = tpu.memref_squeeze %dma_wait3A_73 : memref<1x128xf32, #tpu.memory_space<vmem>> -> memref<128xf32, #tpu.memory_space<vmem>>
        %dma_wait3A_75 = arith.constant 0 : i32
        %dma_wait3A_76 = tpu.memref_slice %arg6[%dma_wait3A_70, %dma_wait3A_75] : memref<104x128xi32, #tpu.memory_space<vmem>> -> memref<1x128xi32, #tpu.memory_space<vmem>>
        %dma_wait3A_77 = tpu.memref_squeeze %dma_wait3A_76 : memref<1x128xi32, #tpu.memory_space<vmem>> -> memref<128xi32, #tpu.memory_space<vmem>>
        %dma_wait3A_78 = arith.constant 0 : i32
        %dma_wait3A_79 = tpu.memref_slice %arg3[%scan3A_13, %dma_wait3A_78] : memref<1x2600000xf32, #tpu.memory_space<hbm>> -> memref<1x2600000xf32, #tpu.memory_space<hbm>>
        %dma_wait3A_80 = tpu.memref_squeeze %dma_wait3A_79 : memref<1x2600000xf32, #tpu.memory_space<hbm>> -> memref<2600000xf32, #tpu.memory_space<hbm>>
        %dma_wait3A_81 = arith.constant 0 : i32
        %dma_wait3A_82 = tpu.memref_slice %dma_wait3A_80[%dma_wait3A_81] : memref<2600000xf32, #tpu.memory_space<hbm>> -> memref<2600000xf32, #tpu.memory_space<hbm>>
        tpu.wait_indirect_dma semaphore(%arg11 : memref<!tpu.dma_semaphore, #tpu.memory_space<semaphore_mem>>) src(%dma_wait3A_82 : memref<2600000xf32, #tpu.memory_space<hbm>>) dst(%dma_wait3A_74 : memref<128xf32, #tpu.memory_space<vmem>>)
      }
      %scan3A_33 = arith.constant 26 : i32
      %scan3A_34 = arith.constant 0 : i32
      %scan3A_35 = arith.constant 8 : i32
      %scan3A_36 = arith.addi %scan3A_34, %scan3A_35 : i32
      %scan3A_37 = arith.constant 1 : i32
      scf.for %scan3A_47 = %scan3A_34 to %scan3A_36 step %scan3A_37  : i32 {
        %mul3A_48 = arith.constant 1 : i32
        %mul3A_49 = arith.muli %scan3A_47, %mul3A_48 : i32
        %add3A_50 = arith.constant 0 : i32
        %add3A_51 = arith.addi %add3A_50, %mul3A_49 : i32
        %get3A = arith.constant 0 : index
        %get3A_52 = tpu.vector_load %arg9[%get3A] {strides = array<i32>} : memref<16xf32, #tpu.memory_space<vmem>>, vector<16xf32>,
        %get3A_53 = vector.shape_cast %get3A_52 : vector<16xf32> to vector<16xf32>
        %add3A_54 = arith.constant 0 : i32
        %add3A_55 = arith.addi %add3A_54, %add3A_28 : i32
        %mul3A_56 = arith.constant 16 : i32
        %mul3A_57 = arith.muli %add3A_51, %mul3A_56 : i32
        %get3A_58 = arith.index_cast %add3A_55 : i32 to index
        %get3A_59 = arith.index_cast %mul3A_57 : i32 to index
        %get3A_60 = tpu.vector_load %arg7[%get3A_58, %get3A_59] {strides = array<i32>} : memref<104x128xf32, #tpu.memory_space<vmem>>, vector<1x16xf32>,
        %get3A_61 = vector.shape_cast %get3A_60 : vector<1x16xf32> to vector<16xf32>
        %add3A_62 = arith.addf %get3A_53, %get3A_61 : vector<16xf32>
        %add3A_63 = arith.constant 4 : i32
        %add3A_64 = arith.addi %add3A_63, %add3A_28 : i32
        %mul3A_65 = arith.constant 16 : i32
        %mul3A_66 = arith.muli %add3A_51, %mul3A_65 : i32
        %get3A_67 = arith.index_cast %add3A_64 : i32 to index
        %get3A_68 = arith.index_cast %mul3A_66 : i32 to index
        %get3A_69 = tpu.vector_load %arg7[%get3A_67, %get3A_68] {strides = array<i32>} : memref<104x128xf32, #tpu.memory_space<vmem>>, vector<1x16xf32>,
        %get3A_70 = vector.shape_cast %get3A_69 : vector<1x16xf32> to vector<16xf32>
        %add3A_71 = arith.addf %add3A_62, %get3A_70 : vector<16xf32>
        %add3A_72 = arith.constant 8 : i32
        %add3A_73 = arith.addi %add3A_72, %add3A_28 : i32
        %mul3A_74 = arith.constant 16 : i32
        %mul3A_75 = arith.muli %add3A_51, %mul3A_74 : i32
        %get3A_76 = arith.index_cast %add3A_73 : i32 to index
        %get3A_77 = arith.index_cast %mul3A_75 : i32 to index
        %get3A_78 = tpu.vector_load %arg7[%get3A_76, %get3A_77] {strides = array<i32>} : memref<104x128xf32, #tpu.memory_space<vmem>>, vector<1x16xf32>,
        %get3A_79 = vector.shape_cast %get3A_78 : vector<1x16xf32> to vector<16xf32>
        %add3A_80 = arith.addf %add3A_71, %get3A_79 : vector<16xf32>
        %add3A_81 = arith.constant 12 : i32
        %add3A_82 = arith.addi %add3A_81, %add3A_28 : i32
        %mul3A_83 = arith.constant 16 : i32
        %mul3A_84 = arith.muli %add3A_51, %mul3A_83 : i32
        %get3A_85 = arith.index_cast %add3A_82 : i32 to index
        %get3A_86 = arith.index_cast %mul3A_84 : i32 to index
        %get3A_87 = tpu.vector_load %arg7[%get3A_85, %get3A_86] {strides = array<i32>} : memref<104x128xf32, #tpu.memory_space<vmem>>, vector<1x16xf32>,
        %get3A_88 = vector.shape_cast %get3A_87 : vector<1x16xf32> to vector<16xf32>
        %add3A_89 = arith.addf %add3A_80, %get3A_88 : vector<16xf32>
        %add3A_90 = arith.constant 16 : i32
        %add3A_91 = arith.addi %add3A_90, %add3A_28 : i32
        %mul3A_92 = arith.constant 16 : i32
        %mul3A_93 = arith.muli %add3A_51, %mul3A_92 : i32
        %get3A_94 = arith.index_cast %add3A_91 : i32 to index
        %get3A_95 = arith.index_cast %mul3A_93 : i32 to index
        %get3A_96 = tpu.vector_load %arg7[%get3A_94, %get3A_95] {strides = array<i32>} : memref<104x128xf32, #tpu.memory_space<vmem>>, vector<1x16xf32>,
        %get3A_97 = vector.shape_cast %get3A_96 : vector<1x16xf32> to vector<16xf32>
        %add3A_98 = arith.addf %add3A_89, %get3A_97 : vector<16xf32>
        %add3A_99 = arith.constant 20 : i32
        %add3A_100 = arith.addi %add3A_99, %add3A_28 : i32
        %mul3A_101 = arith.constant 16 : i32
        %mul3A_102 = arith.muli %add3A_51, %mul3A_101 : i32
        %get3A_103 = arith.index_cast %add3A_100 : i32 to index
        %get3A_104 = arith.index_cast %mul3A_102 : i32 to index
        %get3A_105 = tpu.vector_load %arg7[%get3A_103, %get3A_104] {strides = array<i32>} : memref<104x128xf32, #tpu.memory_space<vmem>>, vector<1x16xf32>,
        %get3A_106 = vector.shape_cast %get3A_105 : vector<1x16xf32> to vector<16xf32>
        %add3A_107 = arith.addf %add3A_98, %get3A_106 : vector<16xf32>
        %add3A_108 = arith.constant 24 : i32
        %add3A_109 = arith.addi %add3A_108, %add3A_28 : i32
        %mul3A_110 = arith.constant 16 : i32
        %mul3A_111 = arith.muli %add3A_51, %mul3A_110 : i32
        %get3A_112 = arith.index_cast %add3A_109 : i32 to index
        %get3A_113 = arith.index_cast %mul3A_111 : i32 to index
        %get3A_114 = tpu.vector_load %arg7[%get3A_112, %get3A_113] {strides = array<i32>} : memref<104x128xf32, #tpu.memory_space<vmem>>, vector<1x16xf32>,
        %get3A_115 = vector.shape_cast %get3A_114 : vector<1x16xf32> to vector<16xf32>
        %add3A_116 = arith.addf %add3A_107, %get3A_115 : vector<16xf32>
        %add3A_117 = arith.constant 28 : i32
        %add3A_118 = arith.addi %add3A_117, %add3A_28 : i32
        %mul3A_119 = arith.constant 16 : i32
        %mul3A_120 = arith.muli %add3A_51, %mul3A_119 : i32
        %get3A_121 = arith.index_cast %add3A_118 : i32 to index
        %get3A_122 = arith.index_cast %mul3A_120 : i32 to index
        %get3A_123 = tpu.vector_load %arg7[%get3A_121, %get3A_122] {strides = array<i32>} : memref<104x128xf32, #tpu.memory_space<vmem>>, vector<1x16xf32>,
        %get3A_124 = vector.shape_cast %get3A_123 : vector<1x16xf32> to vector<16xf32>
        %add3A_125 = arith.addf %add3A_116, %get3A_124 : vector<16xf32>
        %add3A_126 = arith.constant 32 : i32
        %add3A_127 = arith.addi %add3A_126, %add3A_28 : i32
        %mul3A_128 = arith.constant 16 : i32
        %mul3A_129 = arith.muli %add3A_51, %mul3A_128 : i32
        %get3A_130 = arith.index_cast %add3A_127 : i32 to index
        %get3A_131 = arith.index_cast %mul3A_129 : i32 to index
        %get3A_132 = tpu.vector_load %arg7[%get3A_130, %get3A_131] {strides = array<i32>} : memref<104x128xf32, #tpu.memory_space<vmem>>, vector<1x16xf32>,
        %get3A_133 = vector.shape_cast %get3A_132 : vector<1x16xf32> to vector<16xf32>
        %add3A_134 = arith.addf %add3A_125, %get3A_133 : vector<16xf32>
        %add3A_135 = arith.constant 36 : i32
        %add3A_136 = arith.addi %add3A_135, %add3A_28 : i32
        %mul3A_137 = arith.constant 16 : i32
        %mul3A_138 = arith.muli %add3A_51, %mul3A_137 : i32
        %get3A_139 = arith.index_cast %add3A_136 : i32 to index
        %get3A_140 = arith.index_cast %mul3A_138 : i32 to index
        %get3A_141 = tpu.vector_load %arg7[%get3A_139, %get3A_140] {strides = array<i32>} : memref<104x128xf32, #tpu.memory_space<vmem>>, vector<1x16xf32>,
        %get3A_142 = vector.shape_cast %get3A_141 : vector<1x16xf32> to vector<16xf32>
        %add3A_143 = arith.addf %add3A_134, %get3A_142 : vector<16xf32>
        %add3A_144 = arith.constant 40 : i32
        %add3A_145 = arith.addi %add3A_144, %add3A_28 : i32
        %mul3A_146 = arith.constant 16 : i32
        %mul3A_147 = arith.muli %add3A_51, %mul3A_146 : i32
        %get3A_148 = arith.index_cast %add3A_145 : i32 to index
        %get3A_149 = arith.index_cast %mul3A_147 : i32 to index
        %get3A_150 = tpu.vector_load %arg7[%get3A_148, %get3A_149] {strides = array<i32>} : memref<104x128xf32, #tpu.memory_space<vmem>>, vector<1x16xf32>,
        %get3A_151 = vector.shape_cast %get3A_150 : vector<1x16xf32> to vector<16xf32>
        %add3A_152 = arith.addf %add3A_143, %get3A_151 : vector<16xf32>
        %add3A_153 = arith.constant 44 : i32
        %add3A_154 = arith.addi %add3A_153, %add3A_28 : i32
        %mul3A_155 = arith.constant 16 : i32
        %mul3A_156 = arith.muli %add3A_51, %mul3A_155 : i32
        %get3A_157 = arith.index_cast %add3A_154 : i32 to index
        %get3A_158 = arith.index_cast %mul3A_156 : i32 to index
        %get3A_159 = tpu.vector_load %arg7[%get3A_157, %get3A_158] {strides = array<i32>} : memref<104x128xf32, #tpu.memory_space<vmem>>, vector<1x16xf32>,
        %get3A_160 = vector.shape_cast %get3A_159 : vector<1x16xf32> to vector<16xf32>
        %add3A_161 = arith.addf %add3A_152, %get3A_160 : vector<16xf32>
        %add3A_162 = arith.constant 48 : i32
        %add3A_163 = arith.addi %add3A_162, %add3A_28 : i32
        %mul3A_164 = arith.constant 16 : i32
        %mul3A_165 = arith.muli %add3A_51, %mul3A_164 : i32
        %get3A_166 = arith.index_cast %add3A_163 : i32 to index
        %get3A_167 = arith.index_cast %mul3A_165 : i32 to index
        %get3A_168 = tpu.vector_load %arg7[%get3A_166, %get3A_167] {strides = array<i32>} : memref<104x128xf32, #tpu.memory_space<vmem>>, vector<1x16xf32>,
        %get3A_169 = vector.shape_cast %get3A_168 : vector<1x16xf32> to vector<16xf32>
        %add3A_170 = arith.addf %add3A_161, %get3A_169 : vector<16xf32>
        %add3A_171 = arith.constant 52 : i32
        %add3A_172 = arith.addi %add3A_171, %add3A_28 : i32
        %mul3A_173 = arith.constant 16 : i32
        %mul3A_174 = arith.muli %add3A_51, %mul3A_173 : i32
        %get3A_175 = arith.index_cast %add3A_172 : i32 to index
        %get3A_176 = arith.index_cast %mul3A_174 : i32 to index
        %get3A_177 = tpu.vector_load %arg7[%get3A_175, %get3A_176] {strides = array<i32>} : memref<104x128xf32, #tpu.memory_space<vmem>>, vector<1x16xf32>,
        %get3A_178 = vector.shape_cast %get3A_177 : vector<1x16xf32> to vector<16xf32>
        %add3A_179 = arith.addf %add3A_170, %get3A_178 : vector<16xf32>
        %add3A_180 = arith.constant 56 : i32
        %add3A_181 = arith.addi %add3A_180, %add3A_28 : i32
        %mul3A_182 = arith.constant 16 : i32
        %mul3A_183 = arith.muli %add3A_51, %mul3A_182 : i32
        %get3A_184 = arith.index_cast %add3A_181 : i32 to index
        %get3A_185 = arith.index_cast %mul3A_183 : i32 to index
        %get3A_186 = tpu.vector_load %arg7[%get3A_184, %get3A_185] {strides = array<i32>} : memref<104x128xf32, #tpu.memory_space<vmem>>, vector<1x16xf32>,
        %get3A_187 = vector.shape_cast %get3A_186 : vector<1x16xf32> to vector<16xf32>
        %add3A_188 = arith.addf %add3A_179, %get3A_187 : vector<16xf32>
        %add3A_189 = arith.constant 60 : i32
        %add3A_190 = arith.addi %add3A_189, %add3A_28 : i32
        %mul3A_191 = arith.constant 16 : i32
        %mul3A_192 = arith.muli %add3A_51, %mul3A_191 : i32
        %get3A_193 = arith.index_cast %add3A_190 : i32 to index
        %get3A_194 = arith.index_cast %mul3A_192 : i32 to index
        %get3A_195 = tpu.vector_load %arg7[%get3A_193, %get3A_194] {strides = array<i32>} : memref<104x128xf32, #tpu.memory_space<vmem>>, vector<1x16xf32>,
        %get3A_196 = vector.shape_cast %get3A_195 : vector<1x16xf32> to vector<16xf32>
        %add3A_197 = arith.addf %add3A_188, %get3A_196 : vector<16xf32>
        %add3A_198 = arith.constant 64 : i32
        %add3A_199 = arith.addi %add3A_198, %add3A_28 : i32
        %mul3A_200 = arith.constant 16 : i32
        %mul3A_201 = arith.muli %add3A_51, %mul3A_200 : i32
        %get3A_202 = arith.index_cast %add3A_199 : i32 to index
        %get3A_203 = arith.index_cast %mul3A_201 : i32 to index
        %get3A_204 = tpu.vector_load %arg7[%get3A_202, %get3A_203] {strides = array<i32>} : memref<104x128xf32, #tpu.memory_space<vmem>>, vector<1x16xf32>,
        %get3A_205 = vector.shape_cast %get3A_204 : vector<1x16xf32> to vector<16xf32>
        %add3A_206 = arith.addf %add3A_197, %get3A_205 : vector<16xf32>
        %add3A_207 = arith.constant 68 : i32
        %add3A_208 = arith.addi %add3A_207, %add3A_28 : i32
        %mul3A_209 = arith.constant 16 : i32
        %mul3A_210 = arith.muli %add3A_51, %mul3A_209 : i32
        %get3A_211 = arith.index_cast %add3A_208 : i32 to index
        %get3A_212 = arith.index_cast %mul3A_210 : i32 to index
        %get3A_213 = tpu.vector_load %arg7[%get3A_211, %get3A_212] {strides = array<i32>} : memref<104x128xf32, #tpu.memory_space<vmem>>, vector<1x16xf32>,
        %get3A_214 = vector.shape_cast %get3A_213 : vector<1x16xf32> to vector<16xf32>
        %add3A_215 = arith.addf %add3A_206, %get3A_214 : vector<16xf32>
        %add3A_216 = arith.constant 72 : i32
        %add3A_217 = arith.addi %add3A_216, %add3A_28 : i32
        %mul3A_218 = arith.constant 16 : i32
        %mul3A_219 = arith.muli %add3A_51, %mul3A_218 : i32
        %get3A_220 = arith.index_cast %add3A_217 : i32 to index
        %get3A_221 = arith.index_cast %mul3A_219 : i32 to index
        %get3A_222 = tpu.vector_load %arg7[%get3A_220, %get3A_221] {strides = array<i32>} : memref<104x128xf32, #tpu.memory_space<vmem>>, vector<1x16xf32>,
        %get3A_223 = vector.shape_cast %get3A_222 : vector<1x16xf32> to vector<16xf32>
        %add3A_224 = arith.addf %add3A_215, %get3A_223 : vector<16xf32>
        %add3A_225 = arith.constant 76 : i32
        %add3A_226 = arith.addi %add3A_225, %add3A_28 : i32
        %mul3A_227 = arith.constant 16 : i32
        %mul3A_228 = arith.muli %add3A_51, %mul3A_227 : i32
        %get3A_229 = arith.index_cast %add3A_226 : i32 to index
        %get3A_230 = arith.index_cast %mul3A_228 : i32 to index
        %get3A_231 = tpu.vector_load %arg7[%get3A_229, %get3A_230] {strides = array<i32>} : memref<104x128xf32, #tpu.memory_space<vmem>>, vector<1x16xf32>,
        %get3A_232 = vector.shape_cast %get3A_231 : vector<1x16xf32> to vector<16xf32>
        %add3A_233 = arith.addf %add3A_224, %get3A_232 : vector<16xf32>
        %add3A_234 = arith.constant 80 : i32
        %add3A_235 = arith.addi %add3A_234, %add3A_28 : i32
        %mul3A_236 = arith.constant 16 : i32
        %mul3A_237 = arith.muli %add3A_51, %mul3A_236 : i32
        %get3A_238 = arith.index_cast %add3A_235 : i32 to index
        %get3A_239 = arith.index_cast %mul3A_237 : i32 to index
        %get3A_240 = tpu.vector_load %arg7[%get3A_238, %get3A_239] {strides = array<i32>} : memref<104x128xf32, #tpu.memory_space<vmem>>, vector<1x16xf32>,
        %get3A_241 = vector.shape_cast %get3A_240 : vector<1x16xf32> to vector<16xf32>
        %add3A_242 = arith.addf %add3A_233, %get3A_241 : vector<16xf32>
        %add3A_243 = arith.constant 84 : i32
        %add3A_244 = arith.addi %add3A_243, %add3A_28 : i32
        %mul3A_245 = arith.constant 16 : i32
        %mul3A_246 = arith.muli %add3A_51, %mul3A_245 : i32
        %get3A_247 = arith.index_cast %add3A_244 : i32 to index
        %get3A_248 = arith.index_cast %mul3A_246 : i32 to index
        %get3A_249 = tpu.vector_load %arg7[%get3A_247, %get3A_248] {strides = array<i32>} : memref<104x128xf32, #tpu.memory_space<vmem>>, vector<1x16xf32>,
        %get3A_250 = vector.shape_cast %get3A_249 : vector<1x16xf32> to vector<16xf32>
        %add3A_251 = arith.addf %add3A_242, %get3A_250 : vector<16xf32>
        %add3A_252 = arith.constant 88 : i32
        %add3A_253 = arith.addi %add3A_252, %add3A_28 : i32
        %mul3A_254 = arith.constant 16 : i32
        %mul3A_255 = arith.muli %add3A_51, %mul3A_254 : i32
        %get3A_256 = arith.index_cast %add3A_253 : i32 to index
        %get3A_257 = arith.index_cast %mul3A_255 : i32 to index
        %get3A_258 = tpu.vector_load %arg7[%get3A_256, %get3A_257] {strides = array<i32>} : memref<104x128xf32, #tpu.memory_space<vmem>>, vector<1x16xf32>,
        %get3A_259 = vector.shape_cast %get3A_258 : vector<1x16xf32> to vector<16xf32>
        %add3A_260 = arith.addf %add3A_251, %get3A_259 : vector<16xf32>
        %add3A_261 = arith.constant 92 : i32
        %add3A_262 = arith.addi %add3A_261, %add3A_28 : i32
        %mul3A_263 = arith.constant 16 : i32
        %mul3A_264 = arith.muli %add3A_51, %mul3A_263 : i32
        %get3A_265 = arith.index_cast %add3A_262 : i32 to index
        %get3A_266 = arith.index_cast %mul3A_264 : i32 to index
        %get3A_267 = tpu.vector_load %arg7[%get3A_265, %get3A_266] {strides = array<i32>} : memref<104x128xf32, #tpu.memory_space<vmem>>, vector<1x16xf32>,
        %get3A_268 = vector.shape_cast %get3A_267 : vector<1x16xf32> to vector<16xf32>
        %add3A_269 = arith.addf %add3A_260, %get3A_268 : vector<16xf32>
        %add3A_270 = arith.constant 96 : i32
        %add3A_271 = arith.addi %add3A_270, %add3A_28 : i32
        %mul3A_272 = arith.constant 16 : i32
        %mul3A_273 = arith.muli %add3A_51, %mul3A_272 : i32
        %get3A_274 = arith.index_cast %add3A_271 : i32 to index
        %get3A_275 = arith.index_cast %mul3A_273 : i32 to index
        %get3A_276 = tpu.vector_load %arg7[%get3A_274, %get3A_275] {strides = array<i32>} : memref<104x128xf32, #tpu.memory_space<vmem>>, vector<1x16xf32>,
        %get3A_277 = vector.shape_cast %get3A_276 : vector<1x16xf32> to vector<16xf32>
        %add3A_278 = arith.addf %add3A_269, %get3A_277 : vector<16xf32>
        %add3A_279 = arith.constant 100 : i32
        %add3A_280 = arith.addi %add3A_279, %add3A_28 : i32
        %mul3A_281 = arith.constant 16 : i32
        %mul3A_282 = arith.muli %add3A_51, %mul3A_281 : i32
        %get3A_283 = arith.index_cast %add3A_280 : i32 to index
        %get3A_284 = arith.index_cast %mul3A_282 : i32 to index
        %get3A_285 = tpu.vector_load %arg7[%get3A_283, %get3A_284] {strides = array<i32>} : memref<104x128xf32, #tpu.memory_space<vmem>>, vector<1x16xf32>,
        %get3A_286 = vector.shape_cast %get3A_285 : vector<1x16xf32> to vector<16xf32>
        %add3A_287 = arith.addf %add3A_278, %get3A_286 : vector<16xf32>
        %mul3A_288 = arith.constant 128 : i32
        %mul3A_289 = arith.muli %add3A_28, %mul3A_288 : i32
        %mul3A_290 = arith.constant 16 : i32
        %mul3A_291 = arith.muli %add3A_51, %mul3A_290 : i32
        %add3A_292 = arith.addi %mul3A_289, %mul3A_291 : i32
        %swap3A = arith.index_cast %add3A_292 : i32 to index
        %swap3A_293 = tpu.vector_load %arg8[%swap3A] {strides = array<i32>} : memref<512xf32, #tpu.memory_space<vmem>>, vector<16xf32>,
        %swap3A_294 = vector.shape_cast %swap3A_293 : vector<16xf32> to vector<16xf32>
        %swap3A_295 = vector.shape_cast %add3A_287 : vector<16xf32> to vector<16xf32>
        tpu.vector_store %arg8[%swap3A], %swap3A_295 {strides = array<i32>} : memref<512xf32, #tpu.memory_space<vmem>>, vector<16xf32>,
      }
      %scan3A_38 = arith.constant 8 : i32
      %mul3A_39 = arith.constant 128 : i32
      %mul3A_40 = arith.muli %add3A_28, %mul3A_39 : i32
      %mul3A_41 = arith.constant 128 : i32
      %mul3A_42 = arith.muli %add3A_28, %mul3A_41 : i32
      %add3A_43 = arith.addi %mul3A_2, %mul3A_42 : i32
      %dma_start3A = tpu.memref_slice %arg8[%mul3A_40] : memref<512xf32, #tpu.memory_space<vmem>> -> memref<128xf32, #tpu.memory_space<vmem>>
      %dma_start3A_44 = tpu.memref_slice %arg5[%add3A_43] : memref<16384xf32, #tpu.memory_space<hbm>> -> memref<128xf32, #tpu.memory_space<hbm>>
      %dma_start3A_45 = tpu.memref_slice %arg5[%add3A_43] : memref<16384xf32, #tpu.memory_space<hbm>> -> memref<128xf32, #tpu.memory_space<hbm>>
      %dma_start3A_46 = tpu.memref_slice %arg8[%mul3A_40] : memref<512xf32, #tpu.memory_space<vmem>> -> memref<128xf32, #tpu.memory_space<vmem>>
      tpu.enqueue_dma source(%dma_start3A_46 : memref<128xf32, #tpu.memory_space<vmem>>) target(%dma_start3A_45 : memref<128xf32, #tpu.memory_space<hbm>>) target_semaphore(%arg12 : memref<!tpu.dma_semaphore, #tpu.memory_space<semaphore_mem>>)
    }
    %scan3A_18 = arith.constant 4 : i32
    %scan3A_19 = arith.constant 0 : i32
    %scan3A_20 = arith.constant 4 : i32
    %scan3A_21 = arith.addi %scan3A_19, %scan3A_20 : i32
    %scan3A_22 = arith.constant 1 : i32
    scf.for %scan3A_24 = %scan3A_19 to %scan3A_21 step %scan3A_22  : i32 {
      %mul3A_25 = arith.constant 1 : i32
      %mul3A_26 = arith.muli %scan3A_24, %mul3A_25 : i32
      %add3A_27 = arith.constant 0 : i32
      %add3A_28 = arith.addi %add3A_27, %mul3A_26 : i32
      %mul3A_29 = arith.constant 128 : i32
      %mul3A_30 = arith.muli %add3A_28, %mul3A_29 : i32
      %mul3A_31 = arith.constant 128 : i32
      %mul3A_32 = arith.muli %add3A_28, %mul3A_31 : i32
      %add3A_33 = arith.addi %mul3A_2, %mul3A_32 : i32
      %dma_wait3A = tpu.memref_slice %arg8[%mul3A_30] : memref<512xf32, #tpu.memory_space<vmem>> -> memref<128xf32, #tpu.memory_space<vmem>>
      %dma_wait3A_34 = tpu.memref_slice %arg5[%add3A_33] : memref<16384xf32, #tpu.memory_space<hbm>> -> memref<128xf32, #tpu.memory_space<hbm>>
      %dma_wait3A_35 = tpu.memref_slice %arg5[%add3A_33] : memref<16384xf32, #tpu.memory_space<hbm>> -> memref<128xf32, #tpu.memory_space<hbm>>
      %dma_wait3A_36 = tpu.memref_slice %arg8[%mul3A_30] : memref<512xf32, #tpu.memory_space<vmem>> -> memref<128xf32, #tpu.memory_space<vmem>>
      tpu.wait_dma2 semaphore(%arg12 : memref<!tpu.dma_semaphore, #tpu.memory_space<semaphore_mem>>) src(%dma_wait3A_36 : memref<128xf32, #tpu.memory_space<vmem>>) dst(%dma_wait3A_35 : memref<128xf32, #tpu.memory_space<hbm>>)
    }
    %scan3A_23 = arith.constant 4 : i32
    return
  }
}

</mosaic_0001>

<sc_bundles>
// kernel: kernel.3.cloned.1.call-start
scs
__scs_entry_jumppad:
0x0: {  	(pc) =	sbr.rel $0x88, $3  }
0x1: {  	(tag) =	ssettag $0x0;
	lr =	simm.s32 $0x1  }
0x2: {  	[smem:$0x3F9E] =	sst lr;
	_ =	strace $0xD0000000  }
0x3: {  	_ = 	snop  }
0x4: {  	_ = 	snop  }
0x5: {  	_ = 	snop  }
0x6: {  	_ = 	snop  }
0x7: {  	_ = 	snop  }
__scs_overlays_trampoline_lowered:
0x8: {  	[smem:$0x3FAD] =	sst s0  }
0x9: {  	[smem:$0x3FAE] =	sst s1  }
0xa: {  	[smem:$0x3FAF] =	sst s2  }
0xb: {  	[smem:$0x3FB0] =	sst s3  }
0xc: {  	[smem:$0x3FB1] =	sst s4  }
0xd: {  	[smem:$0x3FB2] =	sst s5  }
0xe: {  	[smem:$0x3FB3] =	sst s6  }
0xf: {  	[smem:$0x3FB4] =	sst s7  }
0x10: {  	[smem:$0x3FB5] =	sst s8  }
0x11: {  	[smem:$0x3FB6] =	sst s9;
	s0 =	simm.s32 @!p0 $0x0  }
0x12: {  	s1 =	sld [smem:$0x3F9C];
	s0 =	simm.s32 @p0 $0x1  }
0x13: {  	[smem:$0x3FB7] =	sst s0;
	s0 =	simm.s32 @!p1 $0x0  }
0x14: {  	s2 =	sld [smem:$0x3F9B];
	s0 =	simm.s32 @p1 $0x1  }
0x15: {  	[smem:$0x3FB8] =	sst s0;
	s0 =	simm.s32 @!p2 $0x0  }
0x16: {  	s3 =	sld [smem:$0x3FDB];
	s0 =	simm.s32 @p2 $0x1  }
0x17: {  	s4 =	simm.s32 $0x1BF5;
	[smem:$0x3FBA] =	sst s0  }
0x18: {  	s0 =	sld [smem:$0x3F9D];
	_ =	swait.ge [sflag:s4], $0x0  }
0x19: {  	s7 =	sld [smem:$0x3F9E]  }
0x1a: {  	s8 =	sadd.s32 $0xFFFFE003, lr  }
0x1b: {  	s9 =	sadd.s32 $0xFFFFFEF7, lr;
	s5 =	simm.s32 $0xFFFFFFFF;
	p2 =	slt.u32 s8, $0xFFFFF086  }
0x1c: {  	p1 =	slt.u32 s9, $0xF7A;
	s5 =	simm.s32 @!p2 $0x0  }
0x1d: {  	s5 =	simm.s32 @p1 $0x1;
	p0 =	seq.s32 s7, s2  }
0x1e: {  	s7 =	smul.u32 @!p0 $0xF7A, s2;
	p2 =	seq.s32 @!p0 s5, $0x0  }
0x1f: {  	s9 =	smul.u32 $0xF7A, s1;
	s8 =	simm.s32 @!p0 $0x1BF5;
	p2 =	por !p2, p0  }
0x20: {  	[sflag:s8] =	ssyncset.s32 @!p0 $0xFFFFF086;
	s6 =	sadd.s32 @!p0 s3, s7;
	s7 =	simm.s32 @!p0 $0x108  }
0x21: {  	s3 =	sadd.s32 s3, s9;
	s6 =	sadd.s32 @!p0 $0x88, s6;
	s7 =	simm.s32 @p2 $0x1082  }
0x22: {  	[simem:s7], [sflag:s8] =	dma.local @!p0 [hbm:s6], $0xF7A  }
0x23: {  	s9 =	sor.u32 $0xD0000000, s2;
	s6 =	simm.s32 $0x108;
	_ =	swait.ge @!p0 [sflag:s8], $0x0  }
0x24: {  	s3 =	sadd.s32 $0x88, s3;
	s6 =	simm.s32 @!p1 $0x1082;
	[sflag:s4] =	ssyncset.s32 $0xFFFFF086  }
0x25: {  	[simem:s6], [sflag:s4] =	dma.local [hbm:s3], $0xF7A  }
0x26: {  	[smem:$0x3F9E] =	sst s1;
	(tag) =	ssettag s2;
	_ =	strace s9  }
0x27: {  	s1 =	sld [smem:$0x3FAE]  }
0x28: {  	s2 =	sld [smem:$0x3FAF]  }
0x29: {  	s4 =	sld [smem:$0x3FB1]  }
0x2a: {  	p0 =	seq.s32 s5, $0x0;
	s5 =	sld [smem:$0x3FB2]  }
0x2b: {  	s6 =	sld [smem:$0x3FB3]  }
0x2c: {  	s7 =	sld [smem:$0x3FB4]  }
0x2d: {  	s3 =	simm.s32 $0x108;
	s8 =	sld [smem:$0x3FB5]  }
0x2e: {  	s3 =	simm.s32 @!p0 $0x1082;
	s9 =	sld [smem:$0x3FB6]  }
0x2f: {  	lr =	sadd.s32 s0, s3;
	s0 =	sld [smem:$0x3FAD]  }
0x30: {  	s3 =	sld [smem:$0x3FB0]  }
0x31: {  	[smem:$0x3FB9] =	sst s10  }
0x32: {  	s10 =	sld [smem:$0x3FB7];
	_ =	sdelay $0x3  }
0x33: {  	p0 =	seq.s32 s10, $0x1;
	s10 =	sld [smem:$0x3FB9];
	_ =	sdelay $0x3  }
0x34: {  	[smem:$0x3FB9] =	sst s10  }
0x35: {  	s10 =	sld [smem:$0x3FB8];
	_ =	sdelay $0x3  }
0x36: {  	p1 =	seq.s32 s10, $0x1;
	s10 =	sld [smem:$0x3FB9];
	_ =	sdelay $0x3  }
0x37: {  	[smem:$0x3FB9] =	sst s10  }
0x38: {  	s10 =	sld [smem:$0x3FBA]  }
0x39: {  	_ = 	snop;
	(pc) =	sbr.ind lr, $3  }
0x3a: {  	_ = 	snop  }
0x3b: {  	_ = 	snop  }
0x3c: {  	p2 =	seq.s32 s10, $0x1;
	s10 =	sld [smem:$0x3FB9]  }
0x3d: {  	_ =	shalt  }
0x3e: {  	_ =	shalt  }
0x3f: {  	_ =	shalt  }
0x40: {  	_ =	shalt  }
0x41: {  	_ =	shalt  }
0x42: {  	_ =	shalt  }
0x43: {  	_ =	shalt  }
0x44: {  	_ =	shalt  }
0x45: {  	_ =	shalt  }
0x46: {  	_ =	shalt  }
0x47: {  	_ =	shalt  }
0x48: {  	_ =	shalt  }
0x49: {  	_ =	shalt  }
0x4a: {  	_ =	shalt  }
0x4b: {  	_ =	shalt  }
0x4c: {  	_ =	shalt  }
0x4d: {  	_ =	shalt  }
0x4e: {  	_ =	shalt  }
0x4f: {  	_ =	shalt  }
0x50: {  	_ =	shalt  }
0x51: {  	_ =	shalt  }
0x52: {  	_ =	shalt  }
0x53: {  	_ =	shalt  }
0x54: {  	_ =	shalt  }
0x55: {  	_ =	shalt  }
0x56: {  	_ =	shalt  }
0x57: {  	_ =	shalt  }
0x58: {  	_ =	shalt  }
0x59: {  	_ =	shalt  }
0x5a: {  	_ =	shalt  }
0x5b: {  	_ =	shalt  }
0x5c: {  	_ =	shalt  }
0x5d: {  	_ =	shalt  }
0x5e: {  	_ =	shalt  }
0x5f: {  	_ =	shalt  }
0x60: {  	_ =	shalt  }
0x61: {  	_ =	shalt  }
0x62: {  	_ =	shalt  }
0x63: {  	_ =	shalt  }
0x64: {  	_ =	shalt  }
0x65: {  	_ =	shalt  }
0x66: {  	_ =	shalt  }
0x67: {  	_ =	shalt  }
0x68: {  	_ =	shalt  }
0x69: {  	_ =	shalt  }
0x6a: {  	_ =	shalt  }
0x6b: {  	_ =	shalt  }
0x6c: {  	_ =	shalt  }
0x6d: {  	_ =	shalt  }
0x6e: {  	_ =	shalt  }
0x6f: {  	_ =	shalt  }
0x70: {  	_ =	shalt  }
0x71: {  	_ =	shalt  }
0x72: {  	_ =	shalt  }
0x73: {  	_ =	shalt  }
0x74: {  	_ =	shalt  }
0x75: {  	_ =	shalt  }
0x76: {  	_ =	shalt  }
0x77: {  	_ =	shalt  }
0x78: {  	_ =	shalt  }
0x79: {  	_ =	shalt  }
0x7a: {  	_ =	shalt  }
0x7b: {  	_ =	shalt  }
0x7c: {  	_ =	shalt  }
0x7d: {  	_ =	shalt  }
0x7e: {  	_ =	shalt  }
0x7f: {  	_ =	shalt  }
0x80: {  	_ =	shalt  }
0x81: {  	_ =	shalt  }
0x82: {  	_ =	shalt  }
0x83: {  	_ =	shalt  }
0x84: {  	_ =	shalt  }
0x85: {  	_ =	shalt  }
0x86: {  	_ =	shalt  }
0x87: {  	_ =	shalt  }
.Lfunc_end0:
.L_simem_size_0:
called_computation_lowered:
.L_overlay_start_0:
0x88: {  	s2 =	sld [smem:$0x3FD9]  }
0x89: {  	s3 =	sld [smem:$0x3FFE];
	_ =	sdelay $0x1  }
0x8a: {  	s1 =	srdreg.scid  }
0x8b: {  	s0 =	sand.u32 $0x1, s1  }
0x8c: {  	s17 =	sshll.u32 s0, $0xA;
	s2 =	sadd.s32 s3, s2  }
0x8d: {  	s2 =	sadd.s32 s2, s17  }
0x8e: {  	[smem:$0x3FC5] =	sst s2  }
0x8f: {  	_ = 	snop  }
0x90: {  	s2 =	sld [smem:$0x3FC9]  }
0x91: {  	s18 =	sld [smem:$0x3FC8]  }
0x92: {  	s4 =	sld [smem:$0x3FD0];
	(tm) =	ssettm $0x1  }
0x93: {  	s5 =	sld [smem:$0x3FFB];
	_ =	sdelay $0x3  }
0x94: {  	_ =	strace s5  }
0x95: {  	s5 =	sld [smem:$0x3FFC];
	_ =	sdelay $0x3  }
0x96: {  	_ =	strace s5  }
0x97: {  	s5 =	sld [smem:$0x3FFD];
	_ =	sdelay $0x3  }
0x98: {  	_ =	strace s5  }
0x99: {  	_ =	strace $0x8FFFFFFF  }
0x9a: {  	s19 =	sld [smem:$0x3FDB];
	_ =	sdelay $0x1  }
0x9b: {  	s6 =	simm.s32 $_scs_section_size  }
0x9c: {  	s7 =	simm.s32 $_size__tile_overlayer_lowered;
	s8 =	simm.s32 $_tile_overlayer_lowered  }
0x9d: {  	s22 =	simm.s32 $0x1BFF;
	s21 =	sshll.u32 s8, $0x1;
	s5 =	sadd.s32 s6, s19  }
0x9e: {  	s9 =	simm.s32 $0x0;
	s20 =	sshll.u32 s7, $0x1;
	s7 =	sadd.s32 s21, s5  }
0x9f: {  	[timem:s9], [sflag:s22] =	dma.local [hbm:s7], s20  }
0xa0: {  	_ =	swait.ge [sflag:s22], s20  }
0xa1: {  	s6 =	ssub.s32 $0x0, s20;
	[sflag:s22] =	ssyncset.done $0x0  }
0xa2: {  	[sflag:s22] =	ssyncadd.s32 s6;
	_ =	sdelay $0x1  }
0xa3: {  	s23 =	simm.s32 $0x1B8B  }
0xa4: {  	_ =	swait.ge [sflag:s23], $0x1  }
0xa5: {  	[sflag:s23] =	ssyncset.done $0x0  }
0xa6: {  	s25 =	simm.s32 $0x1B8E;
	s24 =	sld [smem:$0x3FFE];
	[sflag:s23] =	ssyncadd.s32 $0xFFFFFFFF  }
0xa7: {  	s26 =	simm.s32 $execute0_lowered;
	[smem:$0x3FD2] =	sst s25  }
0xa8: {  	s7 =	sshll.u32 s26, $0x1;
	_ =	strace $0x80000046;
	[dreg:$0x1] =	wrdreg $0xFFFFFFFF  }
0xa9: {  	s28 =	simm.s32 $_size_execute0_lowered;
	s5 =	sadd.s32 s5, s7;
	[dreg:$0x0] =	wrdreg $0x0  }
0xaa: {  	s7 =	sshll.u32 s28, $0x1;
	[dreg:$0x2] =	wrdreg s5  }
0xab: {  	[dreg:$0x3] =	wrdreg s7  }
0xac: {  	[dreg:$0x4] =	wrdreg $0xC0  }
0xad: {  	_ =	task [dreg:s9], $0x5FFFF  }
0xae: {  	[dreg:$0x1] =	wrdreg $0xFFFFFFFF  }
0xaf: {  	[dreg:$0x0] =	wrdreg $0x60  }
0xb0: {  	[dreg:$0x2] =	wrdreg s2  }
0xb1: {  	[dreg:$0x3] =	wrdreg s18  }
0xb2: {  	[dreg:$0x4] =	wrdreg s24  }
0xb3: {  	[dreg:$0x5] =	wrdreg s4  }
0xb4: {  	[dreg:$0x6] =	wrdreg $0x9  }
0xb5: {  	_ =	task.clear_ibuf [dreg:s9], $0x7FFFF;
	_ =	strace $0x90000046  }
0xb6: {  	s29 =	simm.s32 $0x9;
	_ =	strace $0x80000048  }
0xb7: {  	_ =	swait.ge [sflag:s29], $0x1  }
0xb8: {  	[sflag:s29] =	ssyncadd.s32 $0xFFFFFFFF  }
0xb9: {  	_ =	strace $0x90000048  }
0xba: {  	_ =	sfence  }
0xbb: {  	s30 =	sld [smem:$0x0];
	_ =	sdelay $0x2  }
0xbc: {  	s31 =	sshll.u32 s1, $0xD;
	s1 =	sshrl.u32 s1, $0x2  }
0xbd: {  	s3 =	sand.u32 $0x4000, s31;
	s1 =	sadd.s32 s1, s30  }
0xbe: {  	s0 =	sor.u32 s3, s0;
	s1 =	sshll.u32 s1, $0x11  }
0xbf: {  	s0 =	sor.u32 s1, s0  }
0xc0: {  	s0 =	sadd.s32 $0x8F2B, s0  }
0xc1: {  	[sflag:s0] =	ssyncadd.remote.s32 $0x1  }
0xc2: {  	_ =	sfence.sel $0xFFFF  }
0xc3: {  	[dreg:$0x0] =	wrdreg $0xFFFFFFFF;
	(pc) =	sbr.abs _section_cstart, $3  }
0xc4: {  	[dreg:$0x1] =	wrdreg $0xFFFFFFFF  }
0xc5: {  	_ =	task.clear_ibuf [dreg:s9], $0x2FFFF;
	_ =	strace $0x9FFFFFFF  }
0xc6: {  	(tm) =	ssettm $0x7FFFFFFF  }
0xc7: {  	_ =	shalt  }
tec
execute0_lowered:
.L_overlay_start_1:
0x0: {  	(tag) =	ssettag $0x1  }
0x1: {  	s1 =	rddreg [dreg:$0x0]  }
0x2: {  	s2 =	rddreg [dreg:$0x1]  }
0x3: {  	s7 =	rddreg [dreg:$0x2]  }
0x4: {  	s3 =	rddreg [dreg:$0x3];
	s4 =	srdreg.scid  }
0x5: {  	s5 =	simm.s32 $0x0;
	s0 =	stileid.u32;
	s11 =	simm.s32 $0x1  }
0x6: {  	s12 =	simm.s32 $0x80;
	s13 =	simm.s32 $0x3;
	s6 =	sand.u32 $0x1, s4  }
0x7: {  	s14 =	simm.s32 $0x2;
	[smem:$0x7FF] =	sst s5;
	s8 =	ssub.s32 $0x2, s6  }
0x8: {  	s10 =	sshll.u32 s0, $0xA;
	s30 =	sadd.s32 $0x400, s7;
	s9 =	sshrl.u32 s8, $0x1  }
0x9: {  	s6 =	sshll.u32 s6, $0x9;
	_ =	strace $0x80000047;
	s9 =	ssub.s32 s8, s9  }
0xa: {  	[dreg:$0x5] =	wrdreg s30;
	s6 =	sor.u32 s6, s10;
	s31 =	smax.u32 s9, $0x1  }
0xb: {  	s4 =	simm.s32 $0x0;
	s8 =	sadd.s32 s1, s6;
	[dreg:$0x6] =	wrdreg s31  }
.LBB2_1:
0xc: {  	s22 =	smul.u32 $0x4F, s14;
	_ =	sdelay $0x1  }
0xd: {  	s17 =	sadd.s32 $0xFFFFFF62, s22  }
0xe: {  	s16 =	sshrl.u32 s17, $0xB  }
0xf: {  	s16 =	sand.u32 $0x1F, s16  }
0x10: {  	s0 =	rddreg [dreg:$0x5];
	s29 =	simm.s32 $0x6A00;
	s18 =	smul.u32 $0x1A, s16  }
0x11: {  	[tilespmem:s29], [sflag:$0x3] =	stream.linear.gather [hbm4b:s0+s5], $0x80, $0x38;
	[tilespmem:$0x6A80] =	vst v63  }
0x12: {  	s18 =	ssub.s32 $0x0, s18  }
0x13: {  	s18 =	sshll.u32 s18, $0x2  }
0x14: {  	s18 =	sadd.s32 s16, s18  }
0x15: {  	s19 =	sand.u32 $0xFF, s18  }
0x16: {  	p0 =	por $0x0, $0x0;
	p1 =	seq.s32 s19, $0x0  }
0x17: {  	p0 =	por !p0, !p1  }
0x18: {  	s20 =	simm.s32 $0x1;
	p0 =	por !p0, !p0  }
0x19: {  	s17 =	sshrl.u32 s17, $0x4;
	s21 =	sshrl.u32 s19, $0x2;
	s20 =	simm.s32 @!p0 $0x0  }
0x1a: {  	s18 =	sand.u32 $0x180, s17;
	s30 =	ssub.s32 s21, s20  }
0x1b: {  	s31 =	sor.u32 s6, s18;
	s21 =	sshll.u32 s30, $0xE  }
0x1c: {  	s20 =	sshll.u32 s31, $0x3;
	s17 =	sshll.u32 s30, $0x7;
	s21 =	sand.u32 $0xFFFE0000, s21  }
0x1d: {  	p0 =	por $0x1, $0x1;
	s17 =	sand.u32 $0x380, s17;
	s20 =	sor.u32 s20, s21  }
.Ltmp0:
0x1e: {  	s17 =	sor.u32 s17, s20;
	(pc) =	sbr.rel @!p0 .LBB2_3-.Ltmp0, $4  }
0x1f: {  	s17 =	sshrl.u32 s17, $0x3  }
0x20: {  	[dreg:$0x7] =	wrdreg s4;
	s19 =	sshll.u32 s19, $0x7;
	s17 =	sadd.s32 s1, s17  }
0x21: {  	[tilespmem:s19], [sflag:$0x1] =	stream.linear.gather [hbm4b:s17+s5], $0x80, $0x38;
	[tilespmem:$0x6A80] =	vst v63  }
0x22: {  	s23 =	simm.s32 $0x0;
	s19 =	simm.s32 $0x6;
	s17 =	simm.s32 $0x2  }
.LBB2_2:
0x23: {  	s20 =	sadd.s32 $0xFFFFFFFE, s19;
	s24 =	smov.u32 s18  }
0x24: {  	s25 =	smov.u32 s16;
	s26 =	smov.u32 s17;
	s17 =	smov.u32 s19  }
0x25: {  	s28 =	sor.u32 $0x3, s23;
	s21 =	smul.u32 $0x4F, s19;
	s29 =	sor.u32 $0x1, s23  }
0x26: {  	p0 =	sgt.u32 s20, $0x19;
	p1 =	sgt.u32 s26, $0x19;
	s16 =	sand.u32 $0xFF, s28  }
0x27: {  	s23 =	sshrl.u32 s22, $0x4;
	s18 =	sand.u32 $0xFF, s29;
	s16 =	smul.u32 $0x4F, s16  }
0x28: {  	s30 =	sadd.s32 $0xFFFFFF62, s21;
	s31 =	smul.u32 $0x4F, s18;
	s18 =	sshrl.u32 s22, $0xB  }
0x29: {  	s22 =	sshrl.u32 s30, $0x4;
	s0 =	sand.u32 $0x1F, s18;
	s18 =	sand.u32 $0x180, s23  }
0x2a: {  	s23 =	sshrl.u32 s30, $0xB;
	s30 =	sor.u32 s6, s18;
	s4 =	sshrl.u32 s16, $0x4  }
0x2b: {  	s18 =	sand.u32 $0x180, s22;
	s22 =	smul.u32 $0x1A, s0;
	s10 =	sshrl.u32 s16, $0xB  }
0x2c: {  	s16 =	sand.u32 $0x1F, s23;
	s23 =	sshrl.u32 s31, $0xB;
	s31 =	smul.u32 $0x1A, s10  }
0x2d: {  	s9 =	sadd.s32 s24, s8;
	s7 =	smul.u32 $0x1A, s23  }
0x2e: {  	s4 =	sand.u32 $0x180, s4;
	s15 =	smul.u32 $0x1A, s16;
	s23 =	sor.u32 s6, s18  }
0x2f: {  	s24 =	sshll.u32 s30, $0x3;
	s23 =	sshll.u32 s23, $0x3;
	s26 =	ssub.s32 s26, s22  }
0x30: {  	s22 =	sadd.s32 s4, s8;
	s4 =	ssub.s32 s29, s7;
	s7 =	sshll.u32 s26, $0x2  }
0x31: {  	s26 =	ssub.s32 s28, s31;
	s15 =	ssub.s32 s20, s15;
	s31 =	simm.s32 $0x1  }
0x32: {  	s4 =	sshll.u32 s4, $0x2;
	s26 =	sshll.u32 s26, $0x2;
	s0 =	sadd.s32 s0, s7  }
0x33: {  	s15 =	sshll.u32 s15, $0x2;
	s7 =	sadd.s32 s10, s26;
	s0 =	sand.u32 $0xFF, s0  }
0x34: {  	s10 =	sadd.s32 s16, s15;
	s4 =	sadd.s32 s25, s4;
	s15 =	sshll.u32 s0, $0x7  }
0x35: {  	s25 =	sand.u32 $0xFF, s7;
	s7 =	sshll.u32 s7, $0x2;
	s26 =	sand.u32 $0xFF, s4  }
0x36: {  	s4 =	sshll.u32 s4, $0x2;
	s28 =	sshrl.u32 s0, $0x2;
	s10 =	sand.u32 $0xFF, s10  }
0x37: {  	p2 =	seq.s32 s0, $0x0;
	s0 =	sand.u32 $0x70, s7;
	s7 =	sshll.u32 s26, $0x9  }
0x38: {  	s4 =	sand.u32 $0x70, s4;
	s25 =	sshll.u32 s25, $0x9;
	s26 =	sshrl.u32 s10, $0x2  }
0x39: {  	p3 =	seq.s32 s10, $0x0;
	p1 =	por !p1, !p2;
	s29 =	sshrl.u32 s7, $0x2  }
0x3a: {  	p1 =	por !p1, !p1;
	s30 =	sand.u32 $0xC000, s25;
	p0 =	por !p0, !p3  }
0x3b: {  	s7 =	sand.u32 $0xC000, s7;
	s4 =	sadd.s32 s4, s9;
	s31 =	simm.s32 @!p1 $0x0  }
0x3c: {  	p0 =	por !p0, !p0;
	s9 =	ssub.s32 s28, s31;
	s28 =	simm.s32 $0x1  }
0x3d: {  	s4 =	sadd.s32 s7, s4;
	s28 =	simm.s32 @!p0 $0x0;
	s7 =	sshll.u32 s9, $0xE  }
0x3e: {  	s9 =	sshll.u32 s9, $0x7;
	s26 =	ssub.s32 s26, s28;
	s7 =	sand.u32 $0xFFFE0000, s7  }
0x3f: {  	s9 =	sand.u32 $0x380, s9;
	s28 =	sshll.u32 s26, $0xE;
	s7 =	sor.u32 s24, s7  }
0x40: {  	s26 =	sshll.u32 s26, $0x7;
	s24 =	sand.u32 $0xFFFE0000, s28;
	s7 =	sor.u32 s9, s7  }
0x41: {  	s9 =	sor.u32 s23, s24;
	s23 =	sand.u32 $0x380, s26;
	s7 =	sshrl.u32 s7, $0x3  }
0x42: {  	[tilespmem:s29], [sflag:$0x1] =	stream.linear.gather [hbm4b:s4+s5], $0x80, $0x38;
	[tilespmem:$0x6A80] =	vst v63  }
0x43: {  	p0 =	slt.u32 s20, $0x64;
	s4 =	sor.u32 s23, s9  }
0x44: {  	s7 =	sadd.s32 s1, s7;
	s9 =	sadd.s32 s30, s22;
	s4 =	sshrl.u32 s4, $0x3  }
0x45: {  	[tilespmem:s15], [sflag:$0x1] =	stream.linear.gather [hbm4b:s7+s5], $0x80, $0x38;
	[tilespmem:$0x6A80] =	vst v63  }
.Ltmp1:
0x46: {  	s0 =	sadd.s32 s0, s9;
	s7 =	sshrl.u32 s25, $0x2;
	(pc) =	sbr.rel @p0 .LBB2_2-.Ltmp1, $4  }
0x47: {  	[tilespmem:s7], [sflag:$0x1] =	stream.linear.gather [hbm4b:s0+s5], $0x80, $0x38;
	[tilespmem:$0x6A80] =	vst v63  }
0x48: {  	s4 =	sadd.s32 s1, s4;
	s0 =	sshll.u32 s10, $0x7  }
0x49: {  	[tilespmem:s0], [sflag:$0x1] =	stream.linear.gather [hbm4b:s4+s5], $0x80, $0x38;
	[tilespmem:$0x6A80] =	vst v63  }
0x4a: {  	s19 =	sadd.s32 $0x4, s19;
	s23 =	smov.u32 s20;
	s22 =	smov.u32 s21  }
.LBB2_3:
0x4b: {  	s0 =	sor.u32 $0x3, s23;
	s4 =	sor.u32 $0x1, s23;
	s10 =	sshrl.u32 s22, $0xB  }
0x4c: {  	s15 =	sshrl.u32 s22, $0x4;
	p0 =	sgt.u32 s17, $0x19;
	s7 =	sand.u32 $0xFF, s0  }
0x4d: {  	s10 =	sand.u32 $0x1F, s10;
	s15 =	sand.u32 $0x180, s15;
	s7 =	smul.u32 $0x4F, s7  }
0x4e: {  	s9 =	sand.u32 $0xFF, s4;
	s19 =	smul.u32 $0x1A, s10;
	s15 =	sor.u32 s6, s15  }
0x4f: {  	s18 =	sadd.s32 s18, s8;
	s9 =	smul.u32 $0x4F, s9;
	s15 =	sshll.u32 s15, $0x3  }
0x50: {  	s20 =	sshrl.u32 s7, $0x4;
	s7 =	sshrl.u32 s7, $0xB;
	s24 =	ssub.s32 s17, s19  }
0x51: {  	s9 =	sshrl.u32 s9, $0xB;
	s21 =	smul.u32 $0x1A, s7;
	s17 =	sshll.u32 s24, $0x2  }
0x52: {  	s9 =	smul.u32 $0x1A, s9;
	s25 =	sand.u32 $0x180, s20;
	s10 =	sadd.s32 s10, s17  }
0x53: {  	s26 =	sadd.s32 s25, s8;
	s0 =	ssub.s32 s0, s21;
	s10 =	sand.u32 $0xFF, s10  }
0x54: {  	s4 =	ssub.s32 s4, s9;
	s0 =	sshll.u32 s0, $0x2;
	p1 =	seq.s32 s10, $0x0  }
0x55: {  	s4 =	sshll.u32 s4, $0x2;
	s28 =	sshll.u32 s10, $0x7;
	s10 =	sshrl.u32 s10, $0x2  }
0x56: {  	s0 =	sadd.s32 s7, s0;
	p0 =	por !p0, !p1;
	s4 =	sadd.s32 s16, s4  }
0x57: {  	s7 =	simm.s32 $0x1;
	p0 =	por !p0, !p0;
	s16 =	sand.u32 $0xFF, s4  }
0x58: {  	s4 =	sshll.u32 s4, $0x2;
	s7 =	simm.s32 @!p0 $0x0;
	s29 =	sshll.u32 s16, $0x9  }
0x59: {  	s4 =	sand.u32 $0x70, s4;
	s7 =	ssub.s32 s10, s7;
	s31 =	sand.u32 $0xC000, s29  }
0x5a: {  	s4 =	sadd.s32 s4, s18;
	s10 =	sshrl.u32 s29, $0x2;
	s30 =	sshll.u32 s7, $0xE  }
0x5b: {  	s7 =	sshll.u32 s7, $0x7;
	s4 =	sadd.s32 s31, s4;
	s16 =	sand.u32 $0xFFFE0000, s30  }
0x5c: {  	[tilespmem:s10], [sflag:$0x1] =	stream.linear.gather [hbm4b:s4+s5], $0x80, $0x38;
	[tilespmem:$0x6A80] =	vst v63  }
0x5d: {  	s7 =	sand.u32 $0x380, s7;
	s15 =	sor.u32 s15, s16;
	s16 =	simm.s32 $0x0  }
0x5e: {  	s19 =	sand.u32 $0xFF, s0;
	s7 =	sor.u32 s7, s15;
	s20 =	smul.u32 $0x4F, s16  }
0x5f: {  	s0 =	sshll.u32 s0, $0x2;
	s4 =	sshll.u32 s19, $0x9;
	s7 =	sshrl.u32 s7, $0x3  }
0x60: {  	s21 =	sand.u32 $0xC000, s4;
	s7 =	sadd.s32 s1, s7;
	s22 =	sshrl.u32 s20, $0xB  }
0x61: {  	[tilespmem:s28], [sflag:$0x1] =	stream.linear.gather [hbm4b:s7+s5], $0x80, $0x38;
	[tilespmem:$0x6A80] =	vst v63  }
0x62: {  	s0 =	sand.u32 $0x70, s0;
	s7 =	sadd.s32 s21, s26;
	s9 =	sand.u32 $0x1F, s22  }
0x63: {  	s4 =	sshrl.u32 s4, $0x2;
	s0 =	sadd.s32 s0, s7;
	s23 =	smul.u32 $0x1A, s9  }
0x64: {  	[tilespmem:s4], [sflag:$0x1] =	stream.linear.gather [hbm4b:s0+s5], $0x80, $0x38;
	[tilespmem:$0x6A80] =	vst v63  }
0x65: {  	s24 =	ssub.s32 $0x0, s23  }
0x66: {  	s25 =	sshrl.u32 s20, $0x4;
	_ =	swait.ge [sflag:s11], $0x80;
	s0 =	sand.u32 $0xFF, s24  }
0x67: {  	s4 =	sand.u32 $0xF80, s25;
	[sflag:s11] =	ssyncset.done $0x0;
	s26 =	sshll.u32 s0, $0x9  }
0x68: {  	[sflag:s11] =	ssyncadd.s32 $0xFFFFFF80;
	s7 =	sadd.s32 s4, s26  }
0x69: {  	v0 =	vld [tilespmem:s7+$0x20]  }
0x6a: {  	v1 =	vld [tilespmem:s7+$0x70]  }
0x6b: {  	v2 =	vld [tilespmem:s7+$0x60]  }
0x6c: {  	s0 =	smul.u32 $0x186A0, s0;
	v3 =	vld [tilespmem:s7+$0x40]  }
0x6d: {  	v4 =	vld [tilespmem:s7+$0x50]  }
0x6e: {  	v5 =	vld [tilespmem:s7+$0x0];
	v0 =	vadd.s32 s0, v0  }
0x6f: {  	s28 =	sor.u32 $0x1, s16;
	v6 =	vld [tilespmem:s7+$0x10];
	v58 =	vadd.s32 s0, v1;
	[tilespmem:s7+$0x20] =	vst v0  }
0x70: {  	s29 =	sand.u32 $0xFF, s28;
	v59 =	vld [tilespmem:s7+$0x30];
	v2 =	vadd.s32 s0, v2;
	[tilespmem:s7+$0x70] =	vst v58  }
0x71: {  	s10 =	smul.u32 $0x4F, s29;
	v60 =	vadd.s32 s0, v3;
	[tilespmem:s7+$0x60] =	vst v2  }
0x72: {  	v61 =	vadd.s32 s0, v4;
	[tilespmem:s7+$0x40] =	vst v60  }
0x73: {  	s10 =	sshrl.u32 s10, $0xB;
	v62 =	vadd.s32 s0, v5;
	[tilespmem:s7+$0x50] =	vst v61  }
0x74: {  	s10 =	smul.u32 $0x1A, s10;
	v63 =	vadd.s32 s0, v6;
	[tilespmem:s7+$0x0] =	vst v62  }
0x75: {  	v1 =	vadd.s32 s0, v59;
	[tilespmem:s7+$0x10] =	vst v63  }
0x76: {  	s30 =	ssub.s32 s28, s10;
	s31 =	sadd.s32 $0x3400, s7;
	[tilespmem:s7+$0x30] =	vst v1  }
0x77: {  	[tilespmem:s31], [sflag:$0x2] =	stream.indirect.gather [hbm4b:s2+s12], $0x1, s7, s12, $0xb8;
	[tilespmem:$0x6A80] =	vst v63  }
0x78: {  	s17 =	sand.u32 $0xFF, s30;
	_ =	swait.ge [sflag:s11], $0x80  }
0x79: {  	s0 =	sshll.u32 s17, $0x9;
	[sflag:s11] =	ssyncset.done $0x0  }
0x7a: {  	s18 =	sadd.s32 s4, s0;
	[sflag:s11] =	ssyncadd.s32 $0xFFFFFF80  }
.LBB2_4:
0x7b: {  	s16 =	sadd.s32 $0x2, s16;
	v0 =	vld [tilespmem:s18+$0x70]  }
0x7c: {  	s0 =	smul.u32 $0x4F, s16;
	s4 =	sor.u32 $0x1, s16;
	p0 =	slt.u32 s16, $0x66;
	v1 =	vld [tilespmem:s18+$0x60]  }
0x7d: {  	s9 =	smul.u32 $0x186A0, s17;
	s7 =	sand.u32 $0xFF, s4;
	v2 =	vld [tilespmem:s18+$0x50]  }
0x7e: {  	s10 =	sshrl.u32 s0, $0xB;
	s7 =	smul.u32 $0x4F, s7;
	v3 =	vld [tilespmem:s18+$0x40]  }
0x7f: {  	s10 =	sand.u32 $0x1F, s10;
	v4 =	vld [tilespmem:s18+$0x30]  }
0x80: {  	s10 =	smul.u32 $0x1A, s10;
	s7 =	sshrl.u32 s7, $0xB;
	v5 =	vld [tilespmem:s18+$0x20];
	v0 =	vadd.s32 s9, v0  }
0x81: {  	s7 =	smul.u32 $0x1A, s7;
	v6 =	vld [tilespmem:s18+$0x10];
	v1 =	vadd.s32 s9, v1;
	[tilespmem:s18+$0x70] =	vst v0  }
0x82: {  	s10 =	ssub.s32 s16, s10;
	v0 =	vld [tilespmem:s18+$0x0];
	v2 =	vadd.s32 s9, v2;
	[tilespmem:s18+$0x60] =	vst v1  }
0x83: {  	s10 =	sand.u32 $0xFF, s10;
	s4 =	ssub.s32 s4, s7;
	v1 =	vadd.s32 s9, v3;
	[tilespmem:s18+$0x50] =	vst v2  }
0x84: {  	s0 =	sshrl.u32 s0, $0x4;
	s17 =	sand.u32 $0xFF, s4;
	v2 =	vadd.s32 s9, v4;
	[tilespmem:s18+$0x40] =	vst v1  }
0x85: {  	s19 =	sand.u32 $0xF80, s0;
	s4 =	sshll.u32 s10, $0x9;
	s20 =	sshll.u32 s17, $0x9;
	v1 =	vadd.s32 s9, v5;
	[tilespmem:s18+$0x30] =	vst v2  }
0x86: {  	v2 =	vadd.s32 s9, v6;
	[tilespmem:s18+$0x20] =	vst v1  }
0x87: {  	v0 =	vadd.s32 s9, v0;
	[tilespmem:s18+$0x10] =	vst v2  }
0x88: {  	s0 =	sadd.s32 $0x3400, s18;
	[tilespmem:s18+$0x0] =	vst v0  }
0x89: {  	[tilespmem:s0], [sflag:$0x2] =	stream.indirect.gather [hbm4b:s2+s12], $0x1, s18, s12, $0xb8;
	[tilespmem:$0x6A80] =	vst v63  }
0x8a: {  	_ =	swait.ge [sflag:s11], $0x80  }
0x8b: {  	s0 =	smul.u32 $0x186A0, s10;
	[sflag:s11] =	ssyncset.done $0x0  }
0x8c: {  	s4 =	sadd.s32 s19, s4;
	[sflag:s11] =	ssyncadd.s32 $0xFFFFFF80  }
0x8d: {  	v0 =	vld [tilespmem:s4+$0x0]  }
0x8e: {  	v1 =	vld [tilespmem:s4+$0x20]  }
0x8f: {  	v2 =	vld [tilespmem:s4+$0x70]  }
0x90: {  	v3 =	vld [tilespmem:s4+$0x60]  }
0x91: {  	v4 =	vld [tilespmem:s4+$0x40]  }
0x92: {  	v5 =	vld [tilespmem:s4+$0x50]  }
0x93: {  	v1 =	vadd.s32 s0, v1;
	v6 =	vld [tilespmem:s4+$0x30]  }
0x94: {  	v7 =	vld [tilespmem:s4+$0x10];
	[tilespmem:s4+$0x20] =	vst v1;
	v1 =	vadd.s32 s0, v2  }
0x95: {  	v2 =	vadd.s32 s0, v3;
	[tilespmem:s4+$0x70] =	vst v1  }
0x96: {  	v1 =	vadd.s32 s0, v4;
	[tilespmem:s4+$0x60] =	vst v2  }
0x97: {  	v0 =	vadd.s32 s0, v0;
	[tilespmem:s4+$0x40] =	vst v1;
	v1 =	vadd.s32 s0, v5  }
0x98: {  	v2 =	vadd.s32 s0, v6;
	[tilespmem:s4+$0x50] =	vst v1  }
0x99: {  	[tilespmem:s4+$0x0] =	vst v0;
	v0 =	vadd.s32 s0, v7  }
0x9a: {  	[tilespmem:s4+$0x10] =	vst v0  }
.Ltmp2:
0x9b: {  	s0 =	sadd.s32 $0x3400, s4;
	[tilespmem:s4+$0x30] =	vst v2;
	(pc) =	sbr.rel @p0 .LBB2_4-.Ltmp2, $4  }
0x9c: {  	[tilespmem:s0], [sflag:$0x2] =	stream.indirect.gather [hbm4b:s2+s12], $0x1, s4, s12, $0xb8;
	[tilespmem:$0x6A80] =	vst v63  }
0x9d: {  	_ =	swait.ge [sflag:s11], $0x80  }
0x9e: {  	[sflag:s11] =	ssyncset.done $0x0  }
0x9f: {  	s18 =	sadd.s32 s19, s20;
	[sflag:s11] =	ssyncadd.s32 $0xFFFFFF80  }
0xa0: {  	v0 =	vld [tilespmem:s18+$0x70]  }
0xa1: {  	v1 =	vld [tilespmem:s18+$0x60]  }
0xa2: {  	v2 =	vld [tilespmem:s18+$0x50]  }
0xa3: {  	v3 =	vld [tilespmem:s18+$0x40];
	s0 =	smul.u32 $0x186A0, s17  }
0xa4: {  	v4 =	vld [tilespmem:s18+$0x30]  }
0xa5: {  	v5 =	vld [tilespmem:s18+$0x20];
	v0 =	vadd.s32 s0, v0  }
0xa6: {  	v6 =	vld [tilespmem:s18+$0x10];
	v57 =	vadd.s32 s0, v1;
	[tilespmem:s18+$0x70] =	vst v0  }
0xa7: {  	v58 =	vld [tilespmem:s18+$0x0];
	v2 =	vadd.s32 s0, v2;
	[tilespmem:s18+$0x60] =	vst v57  }
0xa8: {  	v59 =	vadd.s32 s0, v3;
	[tilespmem:s18+$0x50] =	vst v2  }
0xa9: {  	v60 =	vadd.s32 s0, v4;
	[tilespmem:s18+$0x40] =	vst v59  }
0xaa: {  	v61 =	vadd.s32 s0, v5;
	[tilespmem:s18+$0x30] =	vst v60  }
0xab: {  	v62 =	vadd.s32 s0, v6;
	[tilespmem:s18+$0x20] =	vst v61  }
0xac: {  	v63 =	vadd.s32 s0, v58;
	[tilespmem:s18+$0x10] =	vst v62  }
0xad: {  	s31 =	sadd.s32 $0x3400, s18;
	[tilespmem:s18+$0x0] =	vst v63  }
0xae: {  	[tilespmem:s31], [sflag:$0x2] =	stream.indirect.gather [hbm4b:s2+s12], $0x1, s18, s12, $0xb8;
	[tilespmem:$0x6A80] =	vst v63  }
0xaf: {  	_ =	swait.ge [sflag:s13], $0x80  }
0xb0: {  	s16 =	simm.s32 $0x0;
	[sflag:s13] =	ssyncset.done $0x0  }
0xb1: {  	s17 =	simm.s32 $0x6800;
	s18 =	simm.s32 $0x4E00;
	[sflag:s13] =	ssyncadd.s32 $0xFFFFFF80  }
.LBB2_6:
0xb2: {  	_ =	swait.ge [sflag:s14], $0x80  }
0xb3: {  	[sflag:s14] =	ssyncset.done $0x0  }
0xb4: {  	[sflag:s14] =	ssyncadd.s32 $0xFFFFFF80  }
0xb5: {  	_ =	swait.ge [sflag:s14], $0x80  }
0xb6: {  	[sflag:s14] =	ssyncset.done $0x0  }
0xb7: {  	[sflag:s14] =	ssyncadd.s32 $0xFFFFFF80  }
0xb8: {  	_ =	swait.ge [sflag:s14], $0x80  }
0xb9: {  	[sflag:s14] =	ssyncset.done $0x0  }
0xba: {  	[sflag:s14] =	ssyncadd.s32 $0xFFFFFF80  }
0xbb: {  	_ =	swait.ge [sflag:s14], $0x80  }
0xbc: {  	[sflag:s14] =	ssyncset.done $0x0  }
0xbd: {  	[sflag:s14] =	ssyncadd.s32 $0xFFFFFF80  }
0xbe: {  	_ =	swait.ge [sflag:s14], $0x80  }
0xbf: {  	[sflag:s14] =	ssyncset.done $0x0  }
0xc0: {  	[sflag:s14] =	ssyncadd.s32 $0xFFFFFF80  }
0xc1: {  	_ =	swait.ge [sflag:s14], $0x80  }
0xc2: {  	[sflag:s14] =	ssyncset.done $0x0  }
0xc3: {  	[sflag:s14] =	ssyncadd.s32 $0xFFFFFF80  }
0xc4: {  	_ =	swait.ge [sflag:s14], $0x80  }
0xc5: {  	[sflag:s14] =	ssyncset.done $0x0  }
0xc6: {  	[sflag:s14] =	ssyncadd.s32 $0xFFFFFF80  }
0xc7: {  	_ =	swait.ge [sflag:s14], $0x80  }
0xc8: {  	[sflag:s14] =	ssyncset.done $0x0  }
0xc9: {  	[sflag:s14] =	ssyncadd.s32 $0xFFFFFF80  }
0xca: {  	_ =	swait.ge [sflag:s14], $0x80  }
0xcb: {  	[sflag:s14] =	ssyncset.done $0x0  }
0xcc: {  	[sflag:s14] =	ssyncadd.s32 $0xFFFFFF80  }
0xcd: {  	_ =	swait.ge [sflag:s14], $0x80  }
0xce: {  	[sflag:s14] =	ssyncset.done $0x0  }
0xcf: {  	[sflag:s14] =	ssyncadd.s32 $0xFFFFFF80  }
0xd0: {  	_ =	swait.ge [sflag:s14], $0x80  }
0xd1: {  	[sflag:s14] =	ssyncset.done $0x0  }
0xd2: {  	[sflag:s14] =	ssyncadd.s32 $0xFFFFFF80  }
0xd3: {  	_ =	swait.ge [sflag:s14], $0x80  }
0xd4: {  	[sflag:s14] =	ssyncset.done $0x0  }
0xd5: {  	[sflag:s14] =	ssyncadd.s32 $0xFFFFFF80  }
0xd6: {  	_ =	swait.ge [sflag:s14], $0x80  }
0xd7: {  	[sflag:s14] =	ssyncset.done $0x0  }
0xd8: {  	[sflag:s14] =	ssyncadd.s32 $0xFFFFFF80  }
0xd9: {  	_ =	swait.ge [sflag:s14], $0x80  }
0xda: {  	[sflag:s14] =	ssyncset.done $0x0  }
0xdb: {  	[sflag:s14] =	ssyncadd.s32 $0xFFFFFF80  }
0xdc: {  	_ =	swait.ge [sflag:s14], $0x80  }
0xdd: {  	[sflag:s14] =	ssyncset.done $0x0  }
0xde: {  	[sflag:s14] =	ssyncadd.s32 $0xFFFFFF80  }
0xdf: {  	_ =	swait.ge [sflag:s14], $0x80  }
0xe0: {  	[sflag:s14] =	ssyncset.done $0x0  }
0xe1: {  	[sflag:s14] =	ssyncadd.s32 $0xFFFFFF80  }
0xe2: {  	_ =	swait.ge [sflag:s14], $0x80  }
0xe3: {  	[sflag:s14] =	ssyncset.done $0x0  }
0xe4: {  	[sflag:s14] =	ssyncadd.s32 $0xFFFFFF80  }
0xe5: {  	_ =	swait.ge [sflag:s14], $0x80  }
0xe6: {  	[sflag:s14] =	ssyncset.done $0x0  }
0xe7: {  	[sflag:s14] =	ssyncadd.s32 $0xFFFFFF80  }
0xe8: {  	_ =	swait.ge [sflag:s14], $0x80  }
0xe9: {  	[sflag:s14] =	ssyncset.done $0x0  }
0xea: {  	[sflag:s14] =	ssyncadd.s32 $0xFFFFFF80  }
0xeb: {  	_ =	swait.ge [sflag:s14], $0x80  }
0xec: {  	[sflag:s14] =	ssyncset.done $0x0  }
0xed: {  	[sflag:s14] =	ssyncadd.s32 $0xFFFFFF80  }
0xee: {  	_ =	swait.ge [sflag:s14], $0x80  }
0xef: {  	[sflag:s14] =	ssyncset.done $0x0  }
0xf0: {  	[sflag:s14] =	ssyncadd.s32 $0xFFFFFF80  }
0xf1: {  	_ =	swait.ge [sflag:s14], $0x80  }
0xf2: {  	[sflag:s14] =	ssyncset.done $0x0  }
0xf3: {  	[sflag:s14] =	ssyncadd.s32 $0xFFFFFF80  }
0xf4: {  	_ =	swait.ge [sflag:s14], $0x80  }
0xf5: {  	[sflag:s14] =	ssyncset.done $0x0  }
0xf6: {  	[sflag:s14] =	ssyncadd.s32 $0xFFFFFF80  }
0xf7: {  	_ =	swait.ge [sflag:s14], $0x80  }
0xf8: {  	[sflag:s14] =	ssyncset.done $0x0  }
0xf9: {  	[sflag:s14] =	ssyncadd.s32 $0xFFFFFF80  }
0xfa: {  	_ =	swait.ge [sflag:s14], $0x80  }
0xfb: {  	v1 =	vmov s18;
	[sflag:s14] =	ssyncset.done $0x0  }
0xfc: {  	[sflag:s14] =	ssyncadd.s32 $0xFFFFFF80  }
0xfd: {  	_ =	swait.ge [sflag:s14], $0x80  }
0xfe: {  	s20 =	sshll.u32 s16, $0x7;
	s19 =	sshll.u32 s16, $0x9;
	[sflag:s14] =	ssyncset.done $0x0  }
0xff: {  	v0 =	vmov s17;
	s21 =	simm.s32 $0x0;
	s22 =	simm.s32 $0x40;
	[sflag:s14] =	ssyncadd.s32 $0xFFFFFF80  }
.LBB2_7:
0x100: {  	p0 =	sne.s32 s22, $0x1C0;
	v2 =	vld.idx.msk [tilespmem:v1+s21+$0xFFFFE600 ss:$0x1], $0xffff  }
0x101: {  	v3 =	vld [tilespmem:$0x6A00]  }
0x102: {  	v4 =	vld.idx.msk [tilespmem:v1+s21+$0xFFFFE800 ss:$0x1], $0xffff;
	_ =	sdelay $0x1  }
0x103: {  	v5 =	vld.idx.msk [tilespmem:v1+s21+$0xFFFFEA00 ss:$0x1], $0xffff;
	_ =	sdelay $0x1  }
0x104: {  	v2 =	vadd.f32 v2, v3;
	v3 =	vld.idx.msk [tilespmem:v1+s21+$0xFFFFEC00 ss:$0x1], $0xffff;
	_ =	sdelay $0x1  }
0x105: {  	v2 =	vadd.f32 v4, v2;
	v4 =	vld.idx.msk [tilespmem:v1+s21+$0xFFFFEE00 ss:$0x1], $0xffff;
	_ =	sdelay $0x1  }
0x106: {  	v2 =	vadd.f32 v5, v2;
	v5 =	vld.idx.msk [tilespmem:v1+s21+$0xFFFFF000 ss:$0x1], $0xffff;
	_ =	sdelay $0x1  }
0x107: {  	v2 =	vadd.f32 v3, v2;
	v3 =	vld.idx.msk [tilespmem:v1+s21+$0xFFFFF200 ss:$0x1], $0xffff;
	_ =	sdelay $0x1  }
0x108: {  	v2 =	vadd.f32 v4, v2;
	v4 =	vld.idx.msk [tilespmem:v1+s21+$0xFFFFF400 ss:$0x1], $0xffff;
	_ =	sdelay $0x1  }
0x109: {  	v2 =	vadd.f32 v5, v2;
	v5 =	vld.idx.msk [tilespmem:v1+s21+$0xFFFFF600 ss:$0x1], $0xffff;
	_ =	sdelay $0x1  }
0x10a: {  	v2 =	vadd.f32 v3, v2;
	v3 =	vld.idx.msk [tilespmem:v1+s21+$0xFFFFF800 ss:$0x1], $0xffff;
	_ =	sdelay $0x1  }
0x10b: {  	v2 =	vadd.f32 v4, v2;
	v4 =	vld.idx.msk [tilespmem:v1+s21+$0xFFFFFA00 ss:$0x1], $0xffff;
	_ =	sdelay $0x1  }
0x10c: {  	v2 =	vadd.f32 v5, v2;
	v5 =	vld.idx.msk [tilespmem:v1+s21+$0xFFFFFC00 ss:$0x1], $0xffff;
	_ =	sdelay $0x1  }
0x10d: {  	v2 =	vadd.f32 v3, v2;
	v3 =	vld.idx.msk [tilespmem:v1+s21+$0xFFFFFE00 ss:$0x1], $0xffff;
	_ =	sdelay $0x1  }
0x10e: {  	v2 =	vadd.f32 v4, v2;
	v4 =	vld.idx.msk [tilespmem:v1+s21+$0x0 ss:$0x1], $0xffff;
	_ =	sdelay $0x1  }
0x10f: {  	v2 =	vadd.f32 v5, v2;
	v5 =	vld.idx.msk [tilespmem:v1+s21+$0x200 ss:$0x1], $0xffff;
	_ =	sdelay $0x1  }
0x110: {  	v2 =	vadd.f32 v3, v2;
	v3 =	vld.idx.msk [tilespmem:v1+s21+$0x400 ss:$0x1], $0xffff;
	_ =	sdelay $0x1  }
0x111: {  	v2 =	vadd.f32 v4, v2;
	v4 =	vld.idx.msk [tilespmem:v1+s21+$0x600 ss:$0x1], $0xffff;
	_ =	sdelay $0x1  }
0x112: {  	v2 =	vadd.f32 v5, v2;
	v5 =	vld.idx.msk [tilespmem:v1+s21+$0x800 ss:$0x1], $0xffff;
	_ =	sdelay $0x1  }
0x113: {  	v2 =	vadd.f32 v3, v2;
	v3 =	vld.idx.msk [tilespmem:v1+s21+$0xA00 ss:$0x1], $0xffff;
	_ =	sdelay $0x1  }
0x114: {  	v2 =	vadd.f32 v4, v2;
	v4 =	vld.idx.msk [tilespmem:v1+s21+$0xC00 ss:$0x1], $0xffff;
	_ =	sdelay $0x1  }
0x115: {  	v2 =	vadd.f32 v5, v2;
	v5 =	vld.idx.msk [tilespmem:v1+s21+$0xE00 ss:$0x1], $0xffff;
	_ =	sdelay $0x1  }
0x116: {  	v2 =	vadd.f32 v3, v2;
	v3 =	vld.idx.msk [tilespmem:v1+s21+$0x1000 ss:$0x1], $0xffff;
	_ =	sdelay $0x1  }
0x117: {  	v2 =	vadd.f32 v4, v2;
	v4 =	vld.idx.msk [tilespmem:v1+s21+$0x1200 ss:$0x1], $0xffff;
	_ =	sdelay $0x1  }
0x118: {  	v2 =	vadd.f32 v5, v2;
	v5 =	vld.idx.msk [tilespmem:v1+s21+$0x1400 ss:$0x1], $0xffff;
	_ =	sdelay $0x1  }
0x119: {  	v2 =	vadd.f32 v3, v2;
	v3 =	vld.idx.msk [tilespmem:v1+s21+$0x1600 ss:$0x1], $0xffff;
	_ =	sdelay $0x1  }
0x11a: {  	v2 =	vadd.f32 v4, v2;
	v4 =	vld.idx.msk [tilespmem:v1+s21+$0x1800 ss:$0x1], $0xffff;
	_ =	sdelay $0x1  }
0x11b: {  	v2 =	vadd.f32 v5, v2;
	_ =	sdelay $0x1  }
.Ltmp3:
0x11c: {  	v2 =	vadd.f32 v3, v2;
	(pc) =	sbr.rel @p0 .LBB2_7-.Ltmp3, $3  }
0x11d: {  	_ = 	snop  }
0x11e: {  	v2 =	vadd.f32 v4, v2;
	_ =	sdelay $0x1  }
0x11f: {  	[tilespmem:v0+s21+$0x0 ss:$0x1] =	vst.idx.msk $0xffff, v2;
	s21 =	sshra.s32 s22, $0x2;
	s22 =	sadd.s32 $0x40, s22  }
0x120: {  	_ =	sdelay $0x3  }
0x121: {  	v2 =	vld.idx.msk [tilespmem:v1+s21+$0xFFFFE600 ss:$0x1], $0xffff  }
0x122: {  	v3 =	vld [tilespmem:$0x6A00];
	_ =	sdelay $0x1  }
0x123: {  	v4 =	vld.idx.msk [tilespmem:v1+s21+$0xFFFFE800 ss:$0x1], $0xffff;
	_ =	sdelay $0x1  }
0x124: {  	v5 =	vld.idx.msk [tilespmem:v1+s21+$0xFFFFEA00 ss:$0x1], $0xffff  }
0x125: {  	v2 =	vadd.f32 v2, v3  }
0x126: {  	v41 =	vld.idx.msk [tilespmem:v1+s21+$0xFFFFEC00 ss:$0x1], $0xffff  }
0x127: {  	v2 =	vadd.f32 v4, v2  }
0x128: {  	v42 =	vld.idx.msk [tilespmem:v1+s21+$0xFFFFEE00 ss:$0x1], $0xffff  }
0x129: {  	v2 =	vadd.f32 v5, v2  }
0x12a: {  	v43 =	vld.idx.msk [tilespmem:v1+s21+$0xFFFFF000 ss:$0x1], $0xffff  }
0x12b: {  	v2 =	vadd.f32 v41, v2  }
0x12c: {  	v44 =	vld.idx.msk [tilespmem:v1+s21+$0xFFFFF200 ss:$0x1], $0xffff  }
0x12d: {  	v2 =	vadd.f32 v42, v2  }
0x12e: {  	v45 =	vld.idx.msk [tilespmem:v1+s21+$0xFFFFF400 ss:$0x1], $0xffff  }
0x12f: {  	v2 =	vadd.f32 v43, v2  }
0x130: {  	v46 =	vld.idx.msk [tilespmem:v1+s21+$0xFFFFF600 ss:$0x1], $0xffff  }
0x131: {  	v2 =	vadd.f32 v44, v2  }
0x132: {  	v47 =	vld.idx.msk [tilespmem:v1+s21+$0xFFFFF800 ss:$0x1], $0xffff  }
0x133: {  	v2 =	vadd.f32 v45, v2  }
0x134: {  	v48 =	vld.idx.msk [tilespmem:v1+s21+$0xFFFFFA00 ss:$0x1], $0xffff  }
0x135: {  	v2 =	vadd.f32 v46, v2  }
0x136: {  	v49 =	vld.idx.msk [tilespmem:v1+s21+$0xFFFFFC00 ss:$0x1], $0xffff  }
0x137: {  	v2 =	vadd.f32 v47, v2  }
0x138: {  	v50 =	vld.idx.msk [tilespmem:v1+s21+$0xFFFFFE00 ss:$0x1], $0xffff  }
0x139: {  	v2 =	vadd.f32 v48, v2  }
0x13a: {  	v51 =	vld.idx.msk [tilespmem:v1+s21+$0x0 ss:$0x1], $0xffff  }
0x13b: {  	v2 =	vadd.f32 v49, v2  }
0x13c: {  	v52 =	vld.idx.msk [tilespmem:v1+s21+$0x200 ss:$0x1], $0xffff  }
0x13d: {  	v2 =	vadd.f32 v50, v2  }
0x13e: {  	v53 =	vld.idx.msk [tilespmem:v1+s21+$0x400 ss:$0x1], $0xffff  }
0x13f: {  	v2 =	vadd.f32 v51, v2  }
0x140: {  	v54 =	vld.idx.msk [tilespmem:v1+s21+$0x600 ss:$0x1], $0xffff  }
0x141: {  	v2 =	vadd.f32 v52, v2  }
0x142: {  	v55 =	vld.idx.msk [tilespmem:v1+s21+$0x800 ss:$0x1], $0xffff  }
0x143: {  	v2 =	vadd.f32 v53, v2  }
0x144: {  	v56 =	vld.idx.msk [tilespmem:v1+s21+$0xA00 ss:$0x1], $0xffff  }
0x145: {  	v2 =	vadd.f32 v54, v2  }
0x146: {  	v57 =	vld.idx.msk [tilespmem:v1+s21+$0xC00 ss:$0x1], $0xffff  }
0x147: {  	v2 =	vadd.f32 v55, v2  }
0x148: {  	v58 =	vld.idx.msk [tilespmem:v1+s21+$0xE00 ss:$0x1], $0xffff  }
0x149: {  	v2 =	vadd.f32 v56, v2  }
0x14a: {  	v59 =	vld.idx.msk [tilespmem:v1+s21+$0x1000 ss:$0x1], $0xffff  }
0x14b: {  	v2 =	vadd.f32 v57, v2  }
0x14c: {  	v60 =	vld.idx.msk [tilespmem:v1+s21+$0x1200 ss:$0x1], $0xffff  }
0x14d: {  	v2 =	vadd.f32 v58, v2  }
0x14e: {  	v61 =	vld.idx.msk [tilespmem:v1+s21+$0x1400 ss:$0x1], $0xffff  }
0x14f: {  	v2 =	vadd.f32 v59, v2  }
0x150: {  	v62 =	vld.idx.msk [tilespmem:v1+s21+$0x1600 ss:$0x1], $0xffff  }
0x151: {  	v2 =	vadd.f32 v60, v2  }
0x152: {  	v63 =	vld.idx.msk [tilespmem:v1+s21+$0x1800 ss:$0x1], $0xffff  }
0x153: {  	v2 =	vadd.f32 v61, v2  }
0x154: {  	s16 =	sadd.s32 $0x1, s16  }
0x155: {  	p0 =	sne.s32 s16, $0x4;
	v2 =	vadd.f32 v62, v2  }
.Ltmp4:
0x156: {  	_ = 	snop;
	(pc) =	sbr.rel @p0 .LBB2_6-.Ltmp4, $4  }
0x157: {  	s0 =	sadd.s32 s6, s20;
	v1 =	vadd.f32 v63, v2  }
0x158: {  	s4 =	sshrl.u32 s19, $0x2;
	s17 =	sadd.s32 $0x80, s17;
	s0 =	sshrl.u32 s0, $0x3  }
0x159: {  	s18 =	sadd.s32 $0x80, s18;
	s4 =	sadd.s32 $0x6800, s4;
	s0 =	sadd.s32 s3, s0;
	[tilespmem:v0+s21+$0x0 ss:$0x1] =	vst.idx.msk $0xffff, v1  }
0x15a: {  	[hbm4b:s0+s5] =	stream.linear.scatter [tilespmem:s4], [sflag:$0x3], $0x80, $0x38;
	[tilespmem:$0x6A80] =	vst v63  }
0x15b: {  	_ =	swait.ge [sflag:s13], $0x80  }
0x15c: {  	[sflag:s13] =	ssyncset.done $0x0  }
0x15d: {  	[sflag:s13] =	ssyncadd.s32 $0xFFFFFF80  }
0x15e: {  	_ =	swait.ge [sflag:s13], $0x80  }
0x15f: {  	[sflag:s13] =	ssyncset.done $0x0  }
0x160: {  	[sflag:s13] =	ssyncadd.s32 $0xFFFFFF80  }
0x161: {  	_ =	swait.ge [sflag:s13], $0x80  }
0x162: {  	[sflag:s13] =	ssyncset.done $0x0  }
0x163: {  	[sflag:s13] =	ssyncadd.s32 $0xFFFFFF80  }
0x164: {  	_ =	swait.ge [sflag:s13], $0x80  }
0x165: {  	s4 =	rddreg [dreg:$0x7]  }
0x166: {  	s0 =	rddreg [dreg:$0x6];
	s4 =	sadd.s32 $0x1, s4  }
0x167: {  	p0 =	sne.s32 s4, s0  }
.Ltmp5:
0x168: {  	_ = 	snop;
	(pc) =	sbr.rel @p0 .LBB2_1-.Ltmp5, $3  }
0x169: {  	_ =	sdelay $0x1  }
0x16a: {  	[sflag:s13] =	ssyncset.done $0x0  }
0x16b: {  	[sflag:s13] =	ssyncadd.s32 $0xFFFFFF80  }
0x16c: {  	_ =	sfence.sel $0x180000  }
0x16d: {  	[bflag:$0x0] =	sbarrier.arrive $0xFFFF  }
0x16e: {  	_ =	strace $0x90000047  }
0x16f: {  	s0 =	stileid.u32;
	[bflag:$0x2] =	sbarrier.arrive $0xFFFF  }
0x170: {  	p0 =	sne.s32 s0, $0x0;
	s0 =	rddreg [dreg:$0x4]  }
0x171: {  	s0 =	sadd.s32 @!p0 $0x100000, s0  }
0x172: {  	[sflag:s0] =	ssyncadd.tile.s32 @!p0 $0x1;
	_ =	shalt  }
.Lfunc_end2:
_tile_overlayer_lowered:
.L_overlay_start_2:
0x173: {  	(tag) =	ssettag $0x2  }
0x174: {  	s0 =	rddreg [dreg:$0x0];
	s2 =	stileid.u32  }
0x175: {  	s1 =	rddreg [dreg:$0x1];
	p0 =	sne.s32 s2, $0x0  }
0x176: {  	s3 =	rddreg [dreg:$0x2];
	[bflag:$0x3] =	sbarrier.arrive $0xFFFF;
	s2 =	simm.s32 @!p0 $0x1C04  }
0x177: {  	[timem:s3], [sflag:s2] =	dma.local @!p0 [hbm:s0], s1  }
0x178: {  	s0 =	simm.s32 @!p0 $0x4  }
0x179: {  	_ =	swait.ge @!p0 [sflag:s0], s1  }
0x17a: {  	s1 =	ssub.s32 @!p0 $0x0, s1;
	[sflag:s0] =	ssyncset.done @!p0 $0x0  }
0x17b: {  	[sflag:s0] =	ssyncadd.s32 @!p0 s1  }
0x17c: {  	[bflag:$0x3] =	sbarrier.arrive $0xFFFF  }
0x17d: {  	_ =	shalt  }

</sc_bundles>
